<compile_context>
chip_gen: v7x
topology: tpu7x:2x2x1
jax: 0.10.2.dev20260603
libtpu: 0.0.44.dev20260713+nightly
codegen_flags: <defaults>
</compile_context>

<pallas_src>
import functools

import jax
import jax.numpy as jnp
from jax import lax
from jax.experimental import pallas as pl
from jax.experimental.pallas import tpu as pltpu
from jax.experimental.pallas import tpu_sc as plsc

_HEAD = 0
_TAIL = 1
_BSZ, _SEQ, _HID = 128, 512, 1024
_LANES = 16

_NC = 1
_NS = 16
_NW = _NC * _NS
_ROWS_W = _BSZ // _NW
_GATHER_W = 2 * _ROWS_W


def _sc_gather_body(ids_hbm, table_hbm, ent_hbm, ids_v, idx_v, rows_v, sem):
    wid = lax.axis_index("s") * _NC + lax.axis_index("c")
    rbase = wid * _ROWS_W

    pltpu.sync_copy(ids_hbm.at[pl.ds(rbase, _ROWS_W)], ids_v)

    idx_v[...] = jnp.zeros((_LANES,), jnp.int32)
    lane = jax.lax.broadcasted_iota(jnp.int32, (_LANES,), 0)
    base0 = rbase * _SEQ + lane
    for j in range(_ROWS_W):
        base_j = base0 + j * _SEQ

        @plsc.parallel_loop(0, _SEQ, step=_LANES, unroll=4)
        def _scan(p, j=j, base_j=base_j):
            v = ids_v[j, pl.ds(p, _LANES)]
            plsc.store_scatter(idx_v, [v * _ROWS_W + j], base_j + p, mask=v < 2)

    pltpu.async_copy(table_hbm.at[idx_v.at[pl.ds(0, _GATHER_W)]], rows_v, sem).wait()
    pltpu.sync_copy(
        rows_v.at[pl.ds(0, _ROWS_W)],
        ent_hbm.at[pl.ds(rbase, _ROWS_W), pl.ds(0, _HID)],
    )
    pltpu.sync_copy(
        rows_v.at[pl.ds(_ROWS_W, _ROWS_W)],
        ent_hbm.at[pl.ds(rbase, _ROWS_W), pl.ds(_HID, _HID)],
    )


_sc_gather = functools.partial(
    pl.kernel,
    out_type=jax.ShapeDtypeStruct((_BSZ, 2 * _HID), jnp.float32),
    mesh=plsc.VectorSubcoreMesh(core_axis_name="c", subcore_axis_name="s", num_cores=1),
    scratch_types=[
        pltpu.VMEM((_ROWS_W, _SEQ), jnp.int32),
        pltpu.VMEM((_LANES,), jnp.int32),
        pltpu.VMEM((_GATHER_W, _HID), jnp.float32),
        pltpu.SemaphoreType.DMA,
    ],
    compiler_params=pltpu.CompilerParams(needs_layout_passes=False),
)(_sc_gather_body)


def _mm_body(ent_ref, w_ref, b_ref, out_ref):
    out_ref[...] = lax.dot_general(
        ent_ref[...], w_ref[...],
        dimension_numbers=(((1,), (1,)), ((), ())),
        preferred_element_type=jnp.float32,
    ) + b_ref[...]


def kernel(input_ids, last_hidden_state, W, b):
    table = last_hidden_state.reshape(_BSZ * _SEQ, _HID)
    entity = _sc_gather(input_ids, table)
    logits = pl.pallas_call(
        _mm_body,
        out_shape=jax.ShapeDtypeStruct((_BSZ, W.shape[0]), jnp.float32),
    )(entity, W, b.reshape(1, -1))
    return (logits, entity)

# --- scband reference (transcript-rebuilt; emitter-appended) ---
"""Pipeline reference for scband-reclassifier-48661979463859 (READ-ONLY COPY).

The authoritative reference and input builder live on the scoring server;
editing this copy changes nothing except your own understanding.
"""

import jax, jax.numpy as jnp
import numpy as np

HEAD_START = 0
TAIL_START = 1
BSZ, SEQ, HID, NLAB = 128, 512, 1024, 23


def setup_inputs(seed: int = 0) -> dict:
    key = jax.random.key(seed)
    k1, k2, k3, k4, k5 = jax.random.split(key, 5)
    # random token ids in [2, 30000) so they never collide with the marker ids 0/1
    input_ids = jax.random.randint(k1, (BSZ, SEQ), 2, 30000, dtype=jnp.int32)
    # exactly one <s> (head) and one <e> (tail) marker per row, at distinct positions
    head_pos = jax.random.randint(k2, (BSZ,), 0, SEQ // 2, dtype=jnp.int32)
    tail_pos = jax.random.randint(k3, (BSZ,), SEQ // 2, SEQ, dtype=jnp.int32)
    rows = jnp.arange(BSZ)
    input_ids = input_ids.at[rows, head_pos].set(HEAD_START)
    input_ids = input_ids.at[rows, tail_pos].set(TAIL_START)
    last_hidden_state = jax.random.normal(k4, (BSZ, SEQ, HID), dtype=jnp.float32)
    # classifier params: Linear(2*hidden_size -> num_relation_labels)
    W = jax.random.normal(k5, (NLAB, 2 * HID), dtype=jnp.float32) * 0.02
    b = jnp.zeros((NLAB,), dtype=jnp.float32)
    return {"input_ids": input_ids, "last_hidden_state": last_hidden_state, "W": W, "b": b}


def reference(input_ids, last_hidden_state, W, b):
    # per-row position of the unique head/tail marker tokens
    head_idx = jnp.argmax(input_ids == HEAD_START, axis=1)
    tail_idx = jnp.argmax(input_ids == TAIL_START, axis=1)
    rows = jnp.arange(input_ids.shape[0])
    head_hidden = last_hidden_state[rows, head_idx, :]
    tail_hidden = last_hidden_state[rows, tail_idx, :]
    entity_hidden_state = jnp.concatenate([head_hidden, tail_hidden], axis=-1)
    logits = entity_hidden_state @ W.T + b
    return (logits, entity_hidden_state)

if __name__ == "__main__":
    import jax
    _d = setup_inputs()
    print(jax.jit(kernel)(*tuple(_d.values())))

</pallas_src>

<mosaic_0001>
#map = affine_map<(d0, d1) -> (0, 0)>
module attributes {stable_mosaic.version = 14 : i64} {
  func.func @_sc_gather_body(%arg0: i32, %arg1: i32, %arg2: memref<128x512xi32, #tpu.memory_space<hbm>>, %arg3: memref<65536x1024xf32, #tpu.memory_space<hbm>>, %arg4: memref<128x2048xf32, #tpu.memory_space<hbm>>, %arg5: memref<8x512xi32, #tpu.memory_space<vmem>>, %arg6: memref<16xi32, #tpu.memory_space<vmem>>, %arg7: memref<16x1024xf32, #tpu.memory_space<vmem>>, %arg8: memref<!tpu.dma_semaphore, #tpu.memory_space<semaphore_mem>>) attributes {dimension_semantics = [#tpu.dimension_semantics<core_parallel>, #tpu.dimension_semantics<subcore_parallel>], iteration_bounds = array<i64: 1, 16>, scalar_prefetch = 0 : i64, scratch_operands = 4 : i64, tpu.core_type = #tpu.core_type<sc_vector_subcore>, window_params = [{transform_indices = #map}, {transform_indices = #map}, {transform_indices = #map}]} {
    %mul3A = arith.constant 1 : i32
    %mul3A_0 = arith.muli %arg1, %mul3A : i32
    %add3A = arith.addi %mul3A_0, %arg0 : i32
    %mul3A_1 = arith.constant 8 : i32
    %mul3A_2 = arith.muli %add3A, %mul3A_1 : i32
    "tpu.region"() ({
      %run_scoped3A = tpu.sem_alloc : memref<!tpu.dma_semaphore, #tpu.memory_space<semaphore_mem>>
      %dma_start3A_64 = arith.constant 0 : i32
      %dma_start3A_65 = tpu.memref_slice %arg2[%mul3A_2, %dma_start3A_64] : memref<128x512xi32, #tpu.memory_space<hbm>> -> memref<8x512xi32, #tpu.memory_space<hbm>>
      %dma_start3A_66 = arith.constant 0 : i32
      %dma_start3A_67 = tpu.memref_slice %arg2[%mul3A_2, %dma_start3A_66] : memref<128x512xi32, #tpu.memory_space<hbm>> -> memref<8x512xi32, #tpu.memory_space<hbm>>
      tpu.enqueue_dma source(%dma_start3A_67 : memref<8x512xi32, #tpu.memory_space<hbm>>) target(%arg5 : memref<8x512xi32, #tpu.memory_space<vmem>>) target_semaphore(%run_scoped3A : memref<!tpu.dma_semaphore, #tpu.memory_space<semaphore_mem>>)
      %dma_wait3A_68 = arith.constant 0 : i32
      %dma_wait3A_69 = tpu.memref_slice %arg2[%mul3A_2, %dma_wait3A_68] : memref<128x512xi32, #tpu.memory_space<hbm>> -> memref<8x512xi32, #tpu.memory_space<hbm>>
      %dma_wait3A_70 = arith.constant 0 : i32
      %dma_wait3A_71 = tpu.memref_slice %arg2[%mul3A_2, %dma_wait3A_70] : memref<128x512xi32, #tpu.memory_space<hbm>> -> memref<8x512xi32, #tpu.memory_space<hbm>>
      tpu.wait_dma2 semaphore(%run_scoped3A : memref<!tpu.dma_semaphore, #tpu.memory_space<semaphore_mem>>) src(%dma_wait3A_71 : memref<8x512xi32, #tpu.memory_space<hbm>>) dst(%arg5 : memref<8x512xi32, #tpu.memory_space<vmem>>)
      tpu.yield
    }) : () -> ()
    %broadcast_in_dim3A = arith.constant 0 : i32
    %broadcast_in_dim3A_3 = vector.broadcast %broadcast_in_dim3A : i32 to vector<16xi32>
    %swap3A = arith.constant 0 : index
    %swap3A_4 = tpu.vector_load %arg6[%swap3A] {strides = array<i32>} : memref<16xi32, #tpu.memory_space<vmem>>, vector<16xi32>,
    tpu.vector_store %arg6[%swap3A], %broadcast_in_dim3A_3 {strides = array<i32>} : memref<16xi32, #tpu.memory_space<vmem>>, vector<16xi32>,
    %iota3A = tpu.iota {dimensions = array<i32: 0>} : vector<16xi32>
    %mul3A_5 = arith.constant 512 : i32
    %mul3A_6 = arith.muli %mul3A_2, %mul3A_5 : i32
    %add3A_7 = vector.broadcast %mul3A_6 : i32 to vector<16xi32>
    %add3A_8 = arith.addi %add3A_7, %iota3A : vector<16xi32>
    %add3A_9 = arith.constant 0 : i32
    %add3A_10 = vector.broadcast %add3A_9 : i32 to vector<16xi32>
    %add3A_11 = arith.addi %add3A_8, %add3A_10 : vector<16xi32>
    %parallel_loop3A = arith.constant 0 : i32
    %parallel_loop3A_12 = arith.constant 512 : i32
    %parallel_loop3A_13 = arith.constant 16 : i32
    scf.for %parallel_loop3A_64 = %parallel_loop3A to %parallel_loop3A_12 step %parallel_loop3A_13  : i32 {
      %parallel_loop3A_65 = arith.constant 0 : i32
      %parallel_loop3A_66 = arith.index_cast %parallel_loop3A_65 : i32 to index
      %parallel_loop3A_67 = arith.index_cast %parallel_loop3A_64 : i32 to index
      %parallel_loop3A_68 = tpu.vector_load %arg5[%parallel_loop3A_66, %parallel_loop3A_67] {strides = array<i32>} : memref<8x512xi32, #tpu.memory_space<vmem>>, vector<16xi32>,
      %parallel_loop3A_69 = arith.constant 8 : i32
      %parallel_loop3A_70 = vector.broadcast %parallel_loop3A_69 : i32 to vector<16xi32>
      %parallel_loop3A_71 = arith.muli %parallel_loop3A_68, %parallel_loop3A_70 : vector<16xi32>
      %parallel_loop3A_72 = arith.constant 0 : i32
      %parallel_loop3A_73 = vector.broadcast %parallel_loop3A_72 : i32 to vector<16xi32>
      %parallel_loop3A_74 = arith.addi %parallel_loop3A_71, %parallel_loop3A_73 : vector<16xi32>
      %parallel_loop3A_75 = vector.broadcast %parallel_loop3A_64 : i32 to vector<16xi32>
      %parallel_loop3A_76 = arith.addi %add3A_11, %parallel_loop3A_75 : vector<16xi32>
      %parallel_loop3A_77 = arith.constant 2 : i32
      %parallel_loop3A_78 = vector.broadcast %parallel_loop3A_77 : i32 to vector<16xi32>
      %parallel_loop3A_79 = arith.cmpi slt, %parallel_loop3A_68, %parallel_loop3A_78 : vector<16xi32>
      tpu.vector_store_idx %arg6[%parallel_loop3A_74], %parallel_loop3A_76 masked %parallel_loop3A_79 : memref<16xi32, #tpu.memory_space<vmem>>[vector<16xi32>], vector<16xi32>, vector<16xi1>
    } {sc.loop_unroll_factor = 4 : i64, sc.parallel_access}
    %add3A_14 = arith.constant 512 : i32
    %add3A_15 = vector.broadcast %add3A_14 : i32 to vector<16xi32>
    %add3A_16 = arith.addi %add3A_8, %add3A_15 : vector<16xi32>
    %parallel_loop3A_17 = arith.constant 0 : i32
    %parallel_loop3A_18 = arith.constant 512 : i32
    %parallel_loop3A_19 = arith.constant 16 : i32
    scf.for %parallel_loop3A_64 = %parallel_loop3A_17 to %parallel_loop3A_18 step %parallel_loop3A_19  : i32 {
      %parallel_loop3A_65 = arith.constant 1 : i32
      %parallel_loop3A_66 = arith.index_cast %parallel_loop3A_65 : i32 to index
      %parallel_loop3A_67 = arith.index_cast %parallel_loop3A_64 : i32 to index
      %parallel_loop3A_68 = tpu.vector_load %arg5[%parallel_loop3A_66, %parallel_loop3A_67] {strides = array<i32>} : memref<8x512xi32, #tpu.memory_space<vmem>>, vector<16xi32>,
      %parallel_loop3A_69 = arith.constant 8 : i32
      %parallel_loop3A_70 = vector.broadcast %parallel_loop3A_69 : i32 to vector<16xi32>
      %parallel_loop3A_71 = arith.muli %parallel_loop3A_68, %parallel_loop3A_70 : vector<16xi32>
      %parallel_loop3A_72 = arith.constant 1 : i32
      %parallel_loop3A_73 = vector.broadcast %parallel_loop3A_72 : i32 to vector<16xi32>
      %parallel_loop3A_74 = arith.addi %parallel_loop3A_71, %parallel_loop3A_73 : vector<16xi32>
      %parallel_loop3A_75 = vector.broadcast %parallel_loop3A_64 : i32 to vector<16xi32>
      %parallel_loop3A_76 = arith.addi %add3A_16, %parallel_loop3A_75 : vector<16xi32>
      %parallel_loop3A_77 = arith.constant 2 : i32
      %parallel_loop3A_78 = vector.broadcast %parallel_loop3A_77 : i32 to vector<16xi32>
      %parallel_loop3A_79 = arith.cmpi slt, %parallel_loop3A_68, %parallel_loop3A_78 : vector<16xi32>
      tpu.vector_store_idx %arg6[%parallel_loop3A_74], %parallel_loop3A_76 masked %parallel_loop3A_79 : memref<16xi32, #tpu.memory_space<vmem>>[vector<16xi32>], vector<16xi32>, vector<16xi1>
    } {sc.loop_unroll_factor = 4 : i64, sc.parallel_access}
    %add3A_20 = arith.constant 1024 : i32
    %add3A_21 = vector.broadcast %add3A_20 : i32 to vector<16xi32>
    %add3A_22 = arith.addi %add3A_8, %add3A_21 : vector<16xi32>
    %parallel_loop3A_23 = arith.constant 0 : i32
    %parallel_loop3A_24 = arith.constant 512 : i32
    %parallel_loop3A_25 = arith.constant 16 : i32
    scf.for %parallel_loop3A_64 = %parallel_loop3A_23 to %parallel_loop3A_24 step %parallel_loop3A_25  : i32 {
      %parallel_loop3A_65 = arith.constant 2 : i32
      %parallel_loop3A_66 = arith.index_cast %parallel_loop3A_65 : i32 to index
      %parallel_loop3A_67 = arith.index_cast %parallel_loop3A_64 : i32 to index
      %parallel_loop3A_68 = tpu.vector_load %arg5[%parallel_loop3A_66, %parallel_loop3A_67] {strides = array<i32>} : memref<8x512xi32, #tpu.memory_space<vmem>>, vector<16xi32>,
      %parallel_loop3A_69 = arith.constant 8 : i32
      %parallel_loop3A_70 = vector.broadcast %parallel_loop3A_69 : i32 to vector<16xi32>
      %parallel_loop3A_71 = arith.muli %parallel_loop3A_68, %parallel_loop3A_70 : vector<16xi32>
      %parallel_loop3A_72 = arith.constant 2 : i32
      %parallel_loop3A_73 = vector.broadcast %parallel_loop3A_72 : i32 to vector<16xi32>
      %parallel_loop3A_74 = arith.addi %parallel_loop3A_71, %parallel_loop3A_73 : vector<16xi32>
      %parallel_loop3A_75 = vector.broadcast %parallel_loop3A_64 : i32 to vector<16xi32>
      %parallel_loop3A_76 = arith.addi %add3A_22, %parallel_loop3A_75 : vector<16xi32>
      %parallel_loop3A_77 = arith.constant 2 : i32
      %parallel_loop3A_78 = vector.broadcast %parallel_loop3A_77 : i32 to vector<16xi32>
      %parallel_loop3A_79 = arith.cmpi slt, %parallel_loop3A_68, %parallel_loop3A_78 : vector<16xi32>
      tpu.vector_store_idx %arg6[%parallel_loop3A_74], %parallel_loop3A_76 masked %parallel_loop3A_79 : memref<16xi32, #tpu.memory_space<vmem>>[vector<16xi32>], vector<16xi32>, vector<16xi1>
    } {sc.loop_unroll_factor = 4 : i64, sc.parallel_access}
    %add3A_26 = arith.constant 1536 : i32
    %add3A_27 = vector.broadcast %add3A_26 : i32 to vector<16xi32>
    %add3A_28 = arith.addi %add3A_8, %add3A_27 : vector<16xi32>
    %parallel_loop3A_29 = arith.constant 0 : i32
    %parallel_loop3A_30 = arith.constant 512 : i32
    %parallel_loop3A_31 = arith.constant 16 : i32
    scf.for %parallel_loop3A_64 = %parallel_loop3A_29 to %parallel_loop3A_30 step %parallel_loop3A_31  : i32 {
      %parallel_loop3A_65 = arith.constant 3 : i32
      %parallel_loop3A_66 = arith.index_cast %parallel_loop3A_65 : i32 to index
      %parallel_loop3A_67 = arith.index_cast %parallel_loop3A_64 : i32 to index
      %parallel_loop3A_68 = tpu.vector_load %arg5[%parallel_loop3A_66, %parallel_loop3A_67] {strides = array<i32>} : memref<8x512xi32, #tpu.memory_space<vmem>>, vector<16xi32>,
      %parallel_loop3A_69 = arith.constant 8 : i32
      %parallel_loop3A_70 = vector.broadcast %parallel_loop3A_69 : i32 to vector<16xi32>
      %parallel_loop3A_71 = arith.muli %parallel_loop3A_68, %parallel_loop3A_70 : vector<16xi32>
      %parallel_loop3A_72 = arith.constant 3 : i32
      %parallel_loop3A_73 = vector.broadcast %parallel_loop3A_72 : i32 to vector<16xi32>
      %parallel_loop3A_74 = arith.addi %parallel_loop3A_71, %parallel_loop3A_73 : vector<16xi32>
      %parallel_loop3A_75 = vector.broadcast %parallel_loop3A_64 : i32 to vector<16xi32>
      %parallel_loop3A_76 = arith.addi %add3A_28, %parallel_loop3A_75 : vector<16xi32>
      %parallel_loop3A_77 = arith.constant 2 : i32
      %parallel_loop3A_78 = vector.broadcast %parallel_loop3A_77 : i32 to vector<16xi32>
      %parallel_loop3A_79 = arith.cmpi slt, %parallel_loop3A_68, %parallel_loop3A_78 : vector<16xi32>
      tpu.vector_store_idx %arg6[%parallel_loop3A_74], %parallel_loop3A_76 masked %parallel_loop3A_79 : memref<16xi32, #tpu.memory_space<vmem>>[vector<16xi32>], vector<16xi32>, vector<16xi1>
    } {sc.loop_unroll_factor = 4 : i64, sc.parallel_access}
    %add3A_32 = arith.constant 2048 : i32
    %add3A_33 = vector.broadcast %add3A_32 : i32 to vector<16xi32>
    %add3A_34 = arith.addi %add3A_8, %add3A_33 : vector<16xi32>
    %parallel_loop3A_35 = arith.constant 0 : i32
    %parallel_loop3A_36 = arith.constant 512 : i32
    %parallel_loop3A_37 = arith.constant 16 : i32
    scf.for %parallel_loop3A_64 = %parallel_loop3A_35 to %parallel_loop3A_36 step %parallel_loop3A_37  : i32 {
      %parallel_loop3A_65 = arith.constant 4 : i32
      %parallel_loop3A_66 = arith.index_cast %parallel_loop3A_65 : i32 to index
      %parallel_loop3A_67 = arith.index_cast %parallel_loop3A_64 : i32 to index
      %parallel_loop3A_68 = tpu.vector_load %arg5[%parallel_loop3A_66, %parallel_loop3A_67] {strides = array<i32>} : memref<8x512xi32, #tpu.memory_space<vmem>>, vector<16xi32>,
      %parallel_loop3A_69 = arith.constant 8 : i32
      %parallel_loop3A_70 = vector.broadcast %parallel_loop3A_69 : i32 to vector<16xi32>
      %parallel_loop3A_71 = arith.muli %parallel_loop3A_68, %parallel_loop3A_70 : vector<16xi32>
      %parallel_loop3A_72 = arith.constant 4 : i32
      %parallel_loop3A_73 = vector.broadcast %parallel_loop3A_72 : i32 to vector<16xi32>
      %parallel_loop3A_74 = arith.addi %parallel_loop3A_71, %parallel_loop3A_73 : vector<16xi32>
      %parallel_loop3A_75 = vector.broadcast %parallel_loop3A_64 : i32 to vector<16xi32>
      %parallel_loop3A_76 = arith.addi %add3A_34, %parallel_loop3A_75 : vector<16xi32>
      %parallel_loop3A_77 = arith.constant 2 : i32
      %parallel_loop3A_78 = vector.broadcast %parallel_loop3A_77 : i32 to vector<16xi32>
      %parallel_loop3A_79 = arith.cmpi slt, %parallel_loop3A_68, %parallel_loop3A_78 : vector<16xi32>
      tpu.vector_store_idx %arg6[%parallel_loop3A_74], %parallel_loop3A_76 masked %parallel_loop3A_79 : memref<16xi32, #tpu.memory_space<vmem>>[vector<16xi32>], vector<16xi32>, vector<16xi1>
    } {sc.loop_unroll_factor = 4 : i64, sc.parallel_access}
    %add3A_38 = arith.constant 2560 : i32
    %add3A_39 = vector.broadcast %add3A_38 : i32 to vector<16xi32>
    %add3A_40 = arith.addi %add3A_8, %add3A_39 : vector<16xi32>
    %parallel_loop3A_41 = arith.constant 0 : i32
    %parallel_loop3A_42 = arith.constant 512 : i32
    %parallel_loop3A_43 = arith.constant 16 : i32
    scf.for %parallel_loop3A_64 = %parallel_loop3A_41 to %parallel_loop3A_42 step %parallel_loop3A_43  : i32 {
      %parallel_loop3A_65 = arith.constant 5 : i32
      %parallel_loop3A_66 = arith.index_cast %parallel_loop3A_65 : i32 to index
      %parallel_loop3A_67 = arith.index_cast %parallel_loop3A_64 : i32 to index
      %parallel_loop3A_68 = tpu.vector_load %arg5[%parallel_loop3A_66, %parallel_loop3A_67] {strides = array<i32>} : memref<8x512xi32, #tpu.memory_space<vmem>>, vector<16xi32>,
      %parallel_loop3A_69 = arith.constant 8 : i32
      %parallel_loop3A_70 = vector.broadcast %parallel_loop3A_69 : i32 to vector<16xi32>
      %parallel_loop3A_71 = arith.muli %parallel_loop3A_68, %parallel_loop3A_70 : vector<16xi32>
      %parallel_loop3A_72 = arith.constant 5 : i32
      %parallel_loop3A_73 = vector.broadcast %parallel_loop3A_72 : i32 to vector<16xi32>
      %parallel_loop3A_74 = arith.addi %parallel_loop3A_71, %parallel_loop3A_73 : vector<16xi32>
      %parallel_loop3A_75 = vector.broadcast %parallel_loop3A_64 : i32 to vector<16xi32>
      %parallel_loop3A_76 = arith.addi %add3A_40, %parallel_loop3A_75 : vector<16xi32>
      %parallel_loop3A_77 = arith.constant 2 : i32
      %parallel_loop3A_78 = vector.broadcast %parallel_loop3A_77 : i32 to vector<16xi32>
      %parallel_loop3A_79 = arith.cmpi slt, %parallel_loop3A_68, %parallel_loop3A_78 : vector<16xi32>
      tpu.vector_store_idx %arg6[%parallel_loop3A_74], %parallel_loop3A_76 masked %parallel_loop3A_79 : memref<16xi32, #tpu.memory_space<vmem>>[vector<16xi32>], vector<16xi32>, vector<16xi1>
    } {sc.loop_unroll_factor = 4 : i64, sc.parallel_access}
    %add3A_44 = arith.constant 3072 : i32
    %add3A_45 = vector.broadcast %add3A_44 : i32 to vector<16xi32>
    %add3A_46 = arith.addi %add3A_8, %add3A_45 : vector<16xi32>
    %parallel_loop3A_47 = arith.constant 0 : i32
    %parallel_loop3A_48 = arith.constant 512 : i32
    %parallel_loop3A_49 = arith.constant 16 : i32
    scf.for %parallel_loop3A_64 = %parallel_loop3A_47 to %parallel_loop3A_48 step %parallel_loop3A_49  : i32 {
      %parallel_loop3A_65 = arith.constant 6 : i32
      %parallel_loop3A_66 = arith.index_cast %parallel_loop3A_65 : i32 to index
      %parallel_loop3A_67 = arith.index_cast %parallel_loop3A_64 : i32 to index
      %parallel_loop3A_68 = tpu.vector_load %arg5[%parallel_loop3A_66, %parallel_loop3A_67] {strides = array<i32>} : memref<8x512xi32, #tpu.memory_space<vmem>>, vector<16xi32>,
      %parallel_loop3A_69 = arith.constant 8 : i32
      %parallel_loop3A_70 = vector.broadcast %parallel_loop3A_69 : i32 to vector<16xi32>
      %parallel_loop3A_71 = arith.muli %parallel_loop3A_68, %parallel_loop3A_70 : vector<16xi32>
      %parallel_loop3A_72 = arith.constant 6 : i32
      %parallel_loop3A_73 = vector.broadcast %parallel_loop3A_72 : i32 to vector<16xi32>
      %parallel_loop3A_74 = arith.addi %parallel_loop3A_71, %parallel_loop3A_73 : vector<16xi32>
      %parallel_loop3A_75 = vector.broadcast %parallel_loop3A_64 : i32 to vector<16xi32>
      %parallel_loop3A_76 = arith.addi %add3A_46, %parallel_loop3A_75 : vector<16xi32>
      %parallel_loop3A_77 = arith.constant 2 : i32
      %parallel_loop3A_78 = vector.broadcast %parallel_loop3A_77 : i32 to vector<16xi32>
      %parallel_loop3A_79 = arith.cmpi slt, %parallel_loop3A_68, %parallel_loop3A_78 : vector<16xi32>
      tpu.vector_store_idx %arg6[%parallel_loop3A_74], %parallel_loop3A_76 masked %parallel_loop3A_79 : memref<16xi32, #tpu.memory_space<vmem>>[vector<16xi32>], vector<16xi32>, vector<16xi1>
    } {sc.loop_unroll_factor = 4 : i64, sc.parallel_access}
    %add3A_50 = arith.constant 3584 : i32
    %add3A_51 = vector.broadcast %add3A_50 : i32 to vector<16xi32>
    %add3A_52 = arith.addi %add3A_8, %add3A_51 : vector<16xi32>
    %parallel_loop3A_53 = arith.constant 0 : i32
    %parallel_loop3A_54 = arith.constant 512 : i32
    %parallel_loop3A_55 = arith.constant 16 : i32
    scf.for %parallel_loop3A_64 = %parallel_loop3A_53 to %parallel_loop3A_54 step %parallel_loop3A_55  : i32 {
      %parallel_loop3A_65 = arith.constant 7 : i32
      %parallel_loop3A_66 = arith.index_cast %parallel_loop3A_65 : i32 to index
      %parallel_loop3A_67 = arith.index_cast %parallel_loop3A_64 : i32 to index
      %parallel_loop3A_68 = tpu.vector_load %arg5[%parallel_loop3A_66, %parallel_loop3A_67] {strides = array<i32>} : memref<8x512xi32, #tpu.memory_space<vmem>>, vector<16xi32>,
      %parallel_loop3A_69 = arith.constant 8 : i32
      %parallel_loop3A_70 = vector.broadcast %parallel_loop3A_69 : i32 to vector<16xi32>
      %parallel_loop3A_71 = arith.muli %parallel_loop3A_68, %parallel_loop3A_70 : vector<16xi32>
      %parallel_loop3A_72 = arith.constant 7 : i32
      %parallel_loop3A_73 = vector.broadcast %parallel_loop3A_72 : i32 to vector<16xi32>
      %parallel_loop3A_74 = arith.addi %parallel_loop3A_71, %parallel_loop3A_73 : vector<16xi32>
      %parallel_loop3A_75 = vector.broadcast %parallel_loop3A_64 : i32 to vector<16xi32>
      %parallel_loop3A_76 = arith.addi %add3A_52, %parallel_loop3A_75 : vector<16xi32>
      %parallel_loop3A_77 = arith.constant 2 : i32
      %parallel_loop3A_78 = vector.broadcast %parallel_loop3A_77 : i32 to vector<16xi32>
      %parallel_loop3A_79 = arith.cmpi slt, %parallel_loop3A_68, %parallel_loop3A_78 : vector<16xi32>
      tpu.vector_store_idx %arg6[%parallel_loop3A_74], %parallel_loop3A_76 masked %parallel_loop3A_79 : memref<16xi32, #tpu.memory_space<vmem>>[vector<16xi32>], vector<16xi32>, vector<16xi1>
    } {sc.loop_unroll_factor = 4 : i64, sc.parallel_access}
    %dma_start3A = arith.constant 0 : i32
    %dma_start3A_56 = tpu.memref_slice %arg6[%dma_start3A] : memref<16xi32, #tpu.memory_space<vmem>> -> memref<16xi32, #tpu.memory_space<vmem>>
    %dma_start3A_57 = arith.constant 0 : i32
    %dma_start3A_58 = arith.constant 0 : i32
    %dma_start3A_59 = tpu.memref_slice %arg3[%dma_start3A_57, %dma_start3A_58] : memref<65536x1024xf32, #tpu.memory_space<hbm>> -> memref<65536x1024xf32, #tpu.memory_space<hbm>>
    tpu.enqueue_indirect_dma source(%dma_start3A_59 : memref<65536x1024xf32, #tpu.memory_space<hbm>>) target(%arg7 : memref<16x1024xf32, #tpu.memory_space<vmem>>) offsets(%dma_start3A_56 : memref<16xi32, #tpu.memory_space<vmem>>) semaphore(%arg8 : memref<!tpu.dma_semaphore, #tpu.memory_space<semaphore_mem>>)
    %dma_wait3A = arith.constant 0 : i32
    %dma_wait3A_60 = tpu.memref_slice %arg6[%dma_wait3A] : memref<16xi32, #tpu.memory_space<vmem>> -> memref<16xi32, #tpu.memory_space<vmem>>
    %dma_wait3A_61 = arith.constant 0 : i32
    %dma_wait3A_62 = arith.constant 0 : i32
    %dma_wait3A_63 = tpu.memref_slice %arg3[%dma_wait3A_61, %dma_wait3A_62] : memref<65536x1024xf32, #tpu.memory_space<hbm>> -> memref<65536x1024xf32, #tpu.memory_space<hbm>>
    tpu.wait_indirect_dma semaphore(%arg8 : memref<!tpu.dma_semaphore, #tpu.memory_space<semaphore_mem>>) src(%dma_wait3A_63 : memref<65536x1024xf32, #tpu.memory_space<hbm>>) dst(%arg7 : memref<16x1024xf32, #tpu.memory_space<vmem>>)
    "tpu.region"() ({
      %run_scoped3A = tpu.sem_alloc : memref<!tpu.dma_semaphore, #tpu.memory_space<semaphore_mem>>
      %dma_start3A_64 = arith.constant 0 : i32
      %dma_start3A_65 = arith.constant 0 : i32
      %dma_start3A_66 = tpu.memref_slice %arg7[%dma_start3A_64, %dma_start3A_65] : memref<16x1024xf32, #tpu.memory_space<vmem>> -> memref<8x1024xf32, #tpu.memory_space<vmem>>
      %dma_start3A_67 = arith.constant 0 : i32
      %dma_start3A_68 = tpu.memref_slice %arg4[%mul3A_2, %dma_start3A_67] : memref<128x2048xf32, #tpu.memory_space<hbm>> -> memref<8x1024xf32, #tpu.memory_space<hbm>>
      %dma_start3A_69 = arith.constant 0 : i32
      %dma_start3A_70 = tpu.memref_slice %arg4[%mul3A_2, %dma_start3A_69] : memref<128x2048xf32, #tpu.memory_space<hbm>> -> memref<8x1024xf32, #tpu.memory_space<hbm>>
      %dma_start3A_71 = arith.constant 0 : i32
      %dma_start3A_72 = arith.constant 0 : i32
      %dma_start3A_73 = tpu.memref_slice %arg7[%dma_start3A_71, %dma_start3A_72] : memref<16x1024xf32, #tpu.memory_space<vmem>> -> memref<8x1024xf32, #tpu.memory_space<vmem>>
      tpu.enqueue_dma source(%dma_start3A_73 : memref<8x1024xf32, #tpu.memory_space<vmem>>) target(%dma_start3A_70 : memref<8x1024xf32, #tpu.memory_space<hbm>>) target_semaphore(%run_scoped3A : memref<!tpu.dma_semaphore, #tpu.memory_space<semaphore_mem>>)
      %dma_wait3A_74 = arith.constant 0 : i32
      %dma_wait3A_75 = arith.constant 0 : i32
      %dma_wait3A_76 = tpu.memref_slice %arg7[%dma_wait3A_74, %dma_wait3A_75] : memref<16x1024xf32, #tpu.memory_space<vmem>> -> memref<8x1024xf32, #tpu.memory_space<vmem>>
      %dma_wait3A_77 = arith.constant 0 : i32
      %dma_wait3A_78 = tpu.memref_slice %arg4[%mul3A_2, %dma_wait3A_77] : memref<128x2048xf32, #tpu.memory_space<hbm>> -> memref<8x1024xf32, #tpu.memory_space<hbm>>
      %dma_wait3A_79 = arith.constant 0 : i32
      %dma_wait3A_80 = tpu.memref_slice %arg4[%mul3A_2, %dma_wait3A_79] : memref<128x2048xf32, #tpu.memory_space<hbm>> -> memref<8x1024xf32, #tpu.memory_space<hbm>>
      %dma_wait3A_81 = arith.constant 0 : i32
      %dma_wait3A_82 = arith.constant 0 : i32
      %dma_wait3A_83 = tpu.memref_slice %arg7[%dma_wait3A_81, %dma_wait3A_82] : memref<16x1024xf32, #tpu.memory_space<vmem>> -> memref<8x1024xf32, #tpu.memory_space<vmem>>
      tpu.wait_dma2 semaphore(%run_scoped3A : memref<!tpu.dma_semaphore, #tpu.memory_space<semaphore_mem>>) src(%dma_wait3A_83 : memref<8x1024xf32, #tpu.memory_space<vmem>>) dst(%dma_wait3A_80 : memref<8x1024xf32, #tpu.memory_space<hbm>>)
      tpu.yield
    }) : () -> ()
    "tpu.region"() ({
      %run_scoped3A = tpu.sem_alloc : memref<!tpu.dma_semaphore, #tpu.memory_space<semaphore_mem>>
      %dma_start3A_64 = arith.constant 8 : i32
      %dma_start3A_65 = arith.constant 0 : i32
      %dma_start3A_66 = tpu.memref_slice %arg7[%dma_start3A_64, %dma_start3A_65] : memref<16x1024xf32, #tpu.memory_space<vmem>> -> memref<8x1024xf32, #tpu.memory_space<vmem>>
      %dma_start3A_67 = arith.constant 1024 : i32
      %dma_start3A_68 = tpu.memref_slice %arg4[%mul3A_2, %dma_start3A_67] : memref<128x2048xf32, #tpu.memory_space<hbm>> -> memref<8x1024xf32, #tpu.memory_space<hbm>>
      %dma_start3A_69 = arith.constant 1024 : i32
      %dma_start3A_70 = tpu.memref_slice %arg4[%mul3A_2, %dma_start3A_69] : memref<128x2048xf32, #tpu.memory_space<hbm>> -> memref<8x1024xf32, #tpu.memory_space<hbm>>
      %dma_start3A_71 = arith.constant 8 : i32
      %dma_start3A_72 = arith.constant 0 : i32
      %dma_start3A_73 = tpu.memref_slice %arg7[%dma_start3A_71, %dma_start3A_72] : memref<16x1024xf32, #tpu.memory_space<vmem>> -> memref<8x1024xf32, #tpu.memory_space<vmem>>
      tpu.enqueue_dma source(%dma_start3A_73 : memref<8x1024xf32, #tpu.memory_space<vmem>>) target(%dma_start3A_70 : memref<8x1024xf32, #tpu.memory_space<hbm>>) target_semaphore(%run_scoped3A : memref<!tpu.dma_semaphore, #tpu.memory_space<semaphore_mem>>)
      %dma_wait3A_74 = arith.constant 8 : i32
      %dma_wait3A_75 = arith.constant 0 : i32
      %dma_wait3A_76 = tpu.memref_slice %arg7[%dma_wait3A_74, %dma_wait3A_75] : memref<16x1024xf32, #tpu.memory_space<vmem>> -> memref<8x1024xf32, #tpu.memory_space<vmem>>
      %dma_wait3A_77 = arith.constant 1024 : i32
      %dma_wait3A_78 = tpu.memref_slice %arg4[%mul3A_2, %dma_wait3A_77] : memref<128x2048xf32, #tpu.memory_space<hbm>> -> memref<8x1024xf32, #tpu.memory_space<hbm>>
      %dma_wait3A_79 = arith.constant 1024 : i32
      %dma_wait3A_80 = tpu.memref_slice %arg4[%mul3A_2, %dma_wait3A_79] : memref<128x2048xf32, #tpu.memory_space<hbm>> -> memref<8x1024xf32, #tpu.memory_space<hbm>>
      %dma_wait3A_81 = arith.constant 8 : i32
      %dma_wait3A_82 = arith.constant 0 : i32
      %dma_wait3A_83 = tpu.memref_slice %arg7[%dma_wait3A_81, %dma_wait3A_82] : memref<16x1024xf32, #tpu.memory_space<vmem>> -> memref<8x1024xf32, #tpu.memory_space<vmem>>
      tpu.wait_dma2 semaphore(%run_scoped3A : memref<!tpu.dma_semaphore, #tpu.memory_space<semaphore_mem>>) src(%dma_wait3A_83 : memref<8x1024xf32, #tpu.memory_space<vmem>>) dst(%dma_wait3A_80 : memref<8x1024xf32, #tpu.memory_space<hbm>>)
      tpu.yield
    }) : () -> ()
    return
  }
}

module attributes {stable_mosaic.version = 14 : i64} {
  func.func @_mm_body(%arg0: memref<128x2048xf32, #tpu.memory_space<vmem>>, %arg1: memref<23x2048xf32, #tpu.memory_space<vmem>>, %arg2: memref<1x23xf32, #tpu.memory_space<vmem>>, %arg3: memref<128x23xf32, #tpu.memory_space<vmem>>) attributes {dimension_semantics = [], scalar_prefetch = 0 : i64, scratch_operands = 0 : i64, tpu.core_type = #tpu.core_type<tc>} {
    %get3A = arith.constant 0 : index
    %get3A_0 = arith.constant 0 : index
    %get3A_1 = vector.load %arg0[%get3A, %get3A_0] : memref<128x2048xf32, #tpu.memory_space<vmem>>, vector<128x2048xf32>
    %get3A_2 = arith.constant 0 : index
    %get3A_3 = arith.constant 0 : index
    %get3A_4 = vector.load %arg1[%get3A_2, %get3A_3] : memref<23x2048xf32, #tpu.memory_space<vmem>>, vector<23x2048xf32>
    %dot_general3A = arith.constant dense<0.000000e+00> : vector<128x23xf32>
    %dot_general3A_5 = tpu.matmul %get3A_1, %get3A_4, %dot_general3A {dimension_numbers = #tpu.dot_dimension_numbers<[1], [1], [0], [0], [0, 0, 1, 0], [], []>, transpose_lhs_hint = false} : vector<128x2048xf32>, vector<23x2048xf32>, vector<128x23xf32> -> vector<128x23xf32>
    %get3A_6 = arith.constant 0 : index
    %get3A_7 = arith.constant 0 : index
    %get3A_8 = vector.load %arg2[%get3A_6, %get3A_7] : memref<1x23xf32, #tpu.memory_space<vmem>>, vector<1x23xf32>
    %add3A = vector.broadcast %get3A_8 : vector<1x23xf32> to vector<128x23xf32>
    %add3A_9 = arith.addf %dot_general3A_5, %add3A : vector<128x23xf32>
    %swap3A = arith.constant 0 : index
    %swap3A_10 = arith.constant 0 : index
    %swap3A_11 = vector.load %arg3[%swap3A, %swap3A_10] : memref<128x23xf32, #tpu.memory_space<vmem>>, vector<128x23xf32>
    tpu.vector_store %arg3[%swap3A, %swap3A_10], %add3A_9 {strides = array<i32>} : memref<128x23xf32, #tpu.memory_space<vmem>>, vector<128x23xf32>,
    return
  }
}

</mosaic_0001>

<sc_bundles>
// kernel: kernel.4.cloned.1.call-start
scs
__scs_entry_jumppad:
0x0: {  	(pc) =	sbr.rel $0x88, $3  }
0x1: {  	(tag) =	ssettag $0x0;
	lr =	simm.s32 $0x1  }
0x2: {  	[smem:$0x3F9D] =	sst lr;
	_ =	strace $0xD0000000  }
0x3: {  	_ = 	snop  }
0x4: {  	_ = 	snop  }
0x5: {  	_ = 	snop  }
0x6: {  	_ = 	snop  }
0x7: {  	_ = 	snop  }
__scs_overlays_trampoline_lowered:
0x8: {  	[smem:$0x3FAC] =	sst s0  }
0x9: {  	[smem:$0x3FAD] =	sst s1  }
0xa: {  	[smem:$0x3FAE] =	sst s2  }
0xb: {  	[smem:$0x3FAF] =	sst s3  }
0xc: {  	[smem:$0x3FB0] =	sst s4  }
0xd: {  	[smem:$0x3FB1] =	sst s5  }
0xe: {  	[smem:$0x3FB2] =	sst s6  }
0xf: {  	[smem:$0x3FB3] =	sst s7  }
0x10: {  	[smem:$0x3FB4] =	sst s8  }
0x11: {  	[smem:$0x3FB5] =	sst s9;
	s0 =	simm.s32 @!p0 $0x0  }
0x12: {  	s1 =	sld [smem:$0x3F9B];
	s0 =	simm.s32 @p0 $0x1  }
0x13: {  	[smem:$0x3FB6] =	sst s0;
	s0 =	simm.s32 @!p1 $0x0  }
0x14: {  	s2 =	sld [smem:$0x3F9A];
	s0 =	simm.s32 @p1 $0x1  }
0x15: {  	[smem:$0x3FB7] =	sst s0;
	s0 =	simm.s32 @!p2 $0x0  }
0x16: {  	s3 =	sld [smem:$0x3FDB];
	s0 =	simm.s32 @p2 $0x1  }
0x17: {  	s4 =	simm.s32 $0x1BF5;
	[smem:$0x3FB9] =	sst s0  }
0x18: {  	s0 =	sld [smem:$0x3F9C];
	_ =	swait.ge [sflag:s4], $0x0  }
0x19: {  	s7 =	sld [smem:$0x3F9D]  }
0x1a: {  	s8 =	sadd.s32 $0xFFFFE003, lr  }
0x1b: {  	s9 =	sadd.s32 $0xFFFFFEF7, lr;
	s5 =	simm.s32 $0xFFFFFFFF;
	p2 =	slt.u32 s8, $0xFFFFF086  }
0x1c: {  	p1 =	slt.u32 s9, $0xF7A;
	s5 =	simm.s32 @!p2 $0x0  }
0x1d: {  	s5 =	simm.s32 @p1 $0x1;
	p0 =	seq.s32 s7, s2  }
0x1e: {  	s7 =	smul.u32 @!p0 $0xF7A, s2;
	p2 =	seq.s32 @!p0 s5, $0x0  }
0x1f: {  	s9 =	smul.u32 $0xF7A, s1;
	s8 =	simm.s32 @!p0 $0x1BF5;
	p2 =	por !p2, p0  }
0x20: {  	[sflag:s8] =	ssyncset.s32 @!p0 $0xFFFFF086;
	s6 =	sadd.s32 @!p0 s3, s7;
	s7 =	simm.s32 @!p0 $0x108  }
0x21: {  	s3 =	sadd.s32 s3, s9;
	s6 =	sadd.s32 @!p0 $0x88, s6;
	s7 =	simm.s32 @p2 $0x1082  }
0x22: {  	[simem:s7], [sflag:s8] =	dma.local @!p0 [hbm:s6], $0xF7A  }
0x23: {  	s9 =	sor.u32 $0xD0000000, s2;
	s6 =	simm.s32 $0x108;
	_ =	swait.ge @!p0 [sflag:s8], $0x0  }
0x24: {  	s3 =	sadd.s32 $0x88, s3;
	s6 =	simm.s32 @!p1 $0x1082;
	[sflag:s4] =	ssyncset.s32 $0xFFFFF086  }
0x25: {  	[simem:s6], [sflag:s4] =	dma.local [hbm:s3], $0xF7A  }
0x26: {  	[smem:$0x3F9D] =	sst s1;
	(tag) =	ssettag s2;
	_ =	strace s9  }
0x27: {  	s1 =	sld [smem:$0x3FAD]  }
0x28: {  	s2 =	sld [smem:$0x3FAE]  }
0x29: {  	s4 =	sld [smem:$0x3FB0]  }
0x2a: {  	p0 =	seq.s32 s5, $0x0;
	s5 =	sld [smem:$0x3FB1]  }
0x2b: {  	s6 =	sld [smem:$0x3FB2]  }
0x2c: {  	s7 =	sld [smem:$0x3FB3]  }
0x2d: {  	s3 =	simm.s32 $0x108;
	s8 =	sld [smem:$0x3FB4]  }
0x2e: {  	s3 =	simm.s32 @!p0 $0x1082;
	s9 =	sld [smem:$0x3FB5]  }
0x2f: {  	lr =	sadd.s32 s0, s3;
	s0 =	sld [smem:$0x3FAC]  }
0x30: {  	s3 =	sld [smem:$0x3FAF]  }
0x31: {  	[smem:$0x3FB8] =	sst s10  }
0x32: {  	s10 =	sld [smem:$0x3FB6];
	_ =	sdelay $0x3  }
0x33: {  	p0 =	seq.s32 s10, $0x1;
	s10 =	sld [smem:$0x3FB8];
	_ =	sdelay $0x3  }
0x34: {  	[smem:$0x3FB8] =	sst s10  }
0x35: {  	s10 =	sld [smem:$0x3FB7];
	_ =	sdelay $0x3  }
0x36: {  	p1 =	seq.s32 s10, $0x1;
	s10 =	sld [smem:$0x3FB8];
	_ =	sdelay $0x3  }
0x37: {  	[smem:$0x3FB8] =	sst s10  }
0x38: {  	s10 =	sld [smem:$0x3FB9]  }
0x39: {  	_ = 	snop;
	(pc) =	sbr.ind lr, $3  }
0x3a: {  	_ = 	snop  }
0x3b: {  	_ = 	snop  }
0x3c: {  	p2 =	seq.s32 s10, $0x1;
	s10 =	sld [smem:$0x3FB8]  }
0x3d: {  	_ =	shalt  }
0x3e: {  	_ =	shalt  }
0x3f: {  	_ =	shalt  }
0x40: {  	_ =	shalt  }
0x41: {  	_ =	shalt  }
0x42: {  	_ =	shalt  }
0x43: {  	_ =	shalt  }
0x44: {  	_ =	shalt  }
0x45: {  	_ =	shalt  }
0x46: {  	_ =	shalt  }
0x47: {  	_ =	shalt  }
0x48: {  	_ =	shalt  }
0x49: {  	_ =	shalt  }
0x4a: {  	_ =	shalt  }
0x4b: {  	_ =	shalt  }
0x4c: {  	_ =	shalt  }
0x4d: {  	_ =	shalt  }
0x4e: {  	_ =	shalt  }
0x4f: {  	_ =	shalt  }
0x50: {  	_ =	shalt  }
0x51: {  	_ =	shalt  }
0x52: {  	_ =	shalt  }
0x53: {  	_ =	shalt  }
0x54: {  	_ =	shalt  }
0x55: {  	_ =	shalt  }
0x56: {  	_ =	shalt  }
0x57: {  	_ =	shalt  }
0x58: {  	_ =	shalt  }
0x59: {  	_ =	shalt  }
0x5a: {  	_ =	shalt  }
0x5b: {  	_ =	shalt  }
0x5c: {  	_ =	shalt  }
0x5d: {  	_ =	shalt  }
0x5e: {  	_ =	shalt  }
0x5f: {  	_ =	shalt  }
0x60: {  	_ =	shalt  }
0x61: {  	_ =	shalt  }
0x62: {  	_ =	shalt  }
0x63: {  	_ =	shalt  }
0x64: {  	_ =	shalt  }
0x65: {  	_ =	shalt  }
0x66: {  	_ =	shalt  }
0x67: {  	_ =	shalt  }
0x68: {  	_ =	shalt  }
0x69: {  	_ =	shalt  }
0x6a: {  	_ =	shalt  }
0x6b: {  	_ =	shalt  }
0x6c: {  	_ =	shalt  }
0x6d: {  	_ =	shalt  }
0x6e: {  	_ =	shalt  }
0x6f: {  	_ =	shalt  }
0x70: {  	_ =	shalt  }
0x71: {  	_ =	shalt  }
0x72: {  	_ =	shalt  }
0x73: {  	_ =	shalt  }
0x74: {  	_ =	shalt  }
0x75: {  	_ =	shalt  }
0x76: {  	_ =	shalt  }
0x77: {  	_ =	shalt  }
0x78: {  	_ =	shalt  }
0x79: {  	_ =	shalt  }
0x7a: {  	_ =	shalt  }
0x7b: {  	_ =	shalt  }
0x7c: {  	_ =	shalt  }
0x7d: {  	_ =	shalt  }
0x7e: {  	_ =	shalt  }
0x7f: {  	_ =	shalt  }
0x80: {  	_ =	shalt  }
0x81: {  	_ =	shalt  }
0x82: {  	_ =	shalt  }
0x83: {  	_ =	shalt  }
0x84: {  	_ =	shalt  }
0x85: {  	_ =	shalt  }
0x86: {  	_ =	shalt  }
0x87: {  	_ =	shalt  }
.Lfunc_end0:
.L_simem_size_0:
called_computation_lowered:
.L_overlay_start_0:
0x88: {  	s0 =	sld [smem:$0x3FD9]  }
0x89: {  	s1 =	sld [smem:$0x3FFE];
	_ =	sdelay $0x3  }
0x8a: {  	s0 =	sadd.s32 s1, s0  }
0x8b: {  	[smem:$0x3FC4] =	sst s0  }
0x8c: {  	_ = 	snop  }
0x8d: {  	s0 =	sld [smem:$0x3FD0];
	_ =	sdelay $0x1  }
0x8e: {  	s14 =	sld [smem:$0x3FC9]  }
0x8f: {  	s3 =	simm.s32 $0xA;
	s4 =	simm.s32 $0x10;
	s2 =	sld [smem:$0x3FC8]  }
0x90: {  	[smem:s4], [sflag:s3] =	dma.local [hbm:s0], $0x1  }
0x91: {  	_ =	swait.eq [sflag:s3], $0x1  }
0x92: {  	[sflag:s3] =	ssyncset.done $0x0  }
0x93: {  	[sflag:s3] =	ssyncadd.s32 $0xFFFFFFFF  }
0x94: {  	s15 =	sld [smem:$0x11];
	(tm) =	ssettm $0x1  }
0x95: {  	s16 =	sld [smem:$0x3FFB];
	_ =	sdelay $0x3  }
0x96: {  	_ =	strace s16  }
0x97: {  	s3 =	sld [smem:$0x3FFC];
	_ =	sdelay $0x3  }
0x98: {  	_ =	strace s3  }
0x99: {  	s3 =	sld [smem:$0x3FFD];
	_ =	sdelay $0x3  }
0x9a: {  	_ =	strace s3  }
0x9b: {  	_ =	strace $0x8FFFFFFF  }
0x9c: {  	s17 =	sld [smem:$0x3FDB];
	_ =	sdelay $0x1  }
0x9d: {  	s18 =	simm.s32 $_scs_section_size  }
0x9e: {  	s5 =	simm.s32 $_size__tile_overlayer_lowered;
	s6 =	simm.s32 $_tile_overlayer_lowered  }
0x9f: {  	s21 =	simm.s32 $0x1BFF;
	s20 =	sshll.u32 s6, $0x1;
	s3 =	sadd.s32 s18, s17  }
0xa0: {  	s7 =	simm.s32 $0x0;
	s19 =	sshll.u32 s5, $0x1;
	s5 =	sadd.s32 s20, s3  }
0xa1: {  	[timem:s7], [sflag:s21] =	dma.local [hbm:s5], s19  }
0xa2: {  	_ =	swait.ge [sflag:s21], s19  }
0xa3: {  	s4 =	ssub.s32 $0x0, s19;
	[sflag:s21] =	ssyncset.done $0x0  }
0xa4: {  	[sflag:s21] =	ssyncadd.s32 s4;
	_ =	sdelay $0x1  }
0xa5: {  	s22 =	simm.s32 $0x1B8B  }
0xa6: {  	_ =	swait.ge [sflag:s22], $0x1  }
0xa7: {  	[sflag:s22] =	ssyncset.done $0x0  }
0xa8: {  	s23 =	simm.s32 $0x1B8E;
	[sflag:s22] =	ssyncadd.s32 $0xFFFFFFFF  }
0xa9: {  	s24 =	simm.s32 $execute0_lowered;
	[smem:$0x3FD2] =	sst s23  }
0xaa: {  	s4 =	sshll.u32 s24, $0x1;
	_ =	strace $0x80000046;
	[dreg:$0x1] =	wrdreg $0xFFFFFFFF  }
0xab: {  	s25 =	simm.s32 $_size_execute0_lowered;
	s3 =	sadd.s32 s3, s4;
	[dreg:$0x0] =	wrdreg $0x0  }
0xac: {  	s4 =	sshll.u32 s25, $0x1;
	[dreg:$0x2] =	wrdreg s3  }
0xad: {  	[dreg:$0x3] =	wrdreg s4  }
0xae: {  	[dreg:$0x4] =	wrdreg $0xC0  }
0xaf: {  	_ =	task [dreg:s7], $0x5FFFF  }
0xb0: {  	[dreg:$0x1] =	wrdreg $0xFFFFFFFF  }
0xb1: {  	[dreg:$0x0] =	wrdreg $0x60  }
0xb2: {  	[dreg:$0x2] =	wrdreg s14  }
0xb3: {  	[dreg:$0x3] =	wrdreg s2  }
0xb4: {  	[dreg:$0x4] =	wrdreg s15  }
0xb5: {  	[dreg:$0x5] =	wrdreg $0x9  }
0xb6: {  	_ =	task.clear_ibuf [dreg:s7], $0x6FFFF;
	_ =	strace $0x90000046  }
0xb7: {  	s26 =	simm.s32 $0x9;
	_ =	strace $0x80000048  }
0xb8: {  	_ =	swait.ge [sflag:s26], $0x1  }
0xb9: {  	[sflag:s26] =	ssyncadd.s32 $0xFFFFFFFF  }
0xba: {  	_ =	strace $0x90000048  }
0xbb: {  	_ =	sfence  }
0xbc: {  	s28 =	sld [smem:$0x0];
	_ =	sdelay $0x1  }
0xbd: {  	s29 =	srdreg.scid  }
0xbe: {  	s30 =	sshll.u32 s29, $0xD;
	s31 =	sshrl.u32 s29, $0x2  }
0xbf: {  	s1 =	sand.u32 $0x1, s29;
	s2 =	sand.u32 $0x4000, s30;
	s0 =	sadd.s32 s31, s28  }
0xc0: {  	s1 =	sor.u32 s2, s1;
	s0 =	sshll.u32 s0, $0x11  }
0xc1: {  	s0 =	sor.u32 s0, s1  }
0xc2: {  	s0 =	sadd.s32 $0x8F2B, s0  }
0xc3: {  	[sflag:s0] =	ssyncadd.remote.s32 $0x1  }
0xc4: {  	_ =	sfence.sel $0xFFFF  }
0xc5: {  	[dreg:$0x0] =	wrdreg $0xFFFFFFFF;
	(pc) =	sbr.abs _section_cstart, $3  }
0xc6: {  	[dreg:$0x1] =	wrdreg $0xFFFFFFFF  }
0xc7: {  	_ =	task.clear_ibuf [dreg:s7], $0x2FFFF;
	_ =	strace $0x9FFFFFFF  }
0xc8: {  	(tm) =	ssettm $0x7FFFFFFF  }
0xc9: {  	_ =	shalt  }
tec
execute0_lowered:
.L_overlay_start_1:
0x0: {  	(tag) =	ssettag $0x1  }
0x1: {  	s4 =	rddreg [dreg:$0x0]  }
0x2: {  	s3 =	rddreg [dreg:$0x1]  }
0x3: {  	s2 =	rddreg [dreg:$0x2]  }
0x4: {  	s0 =	rddreg [dreg:$0x3];
	s5 =	simm.s32 $0x0;
	s1 =	stileid.u32  }
0x5: {  	[smem:$0x7FF] =	sst s5;
	s6 =	sshll.u32 s1, $0x9  }
0x6: {  	s31 =	simm.s32 $0x2;
	_ =	strace $0x80000047;
	s4 =	sadd.s32 s4, s6  }
0x7: {  	[tilespmem:s5], [sflag:$0x2] =	stream.linear.gather [hbm4b:s4+s5], $0x1000, $0x38;
	[tilespmem:$0x5080] =	vst v63  }
0x8: {  	s7 =	simm.s32 $0x30;
	p1 =	por $0x1, $0x1;
	_ =	swait.ge [sflag:s31], $0x1000  }
.Ltmp0:
0x9: {  	s6 =	simm.s32 $0x0;
	[sflag:s31] =	ssyncset.done $0x0;
	(pc) =	sbr.rel @!p1 .LBB2_1-.Ltmp0, $4  }
0xa: {  	v0 =	vimm.s32 $0x0;
	s8 =	sand.u32 $0x40, s6;
	s5 =	sand.u32 $0xC00, s5;
	[sflag:s31] =	ssyncadd.s32 $0xFFFFF000  }
0xb: {  	p2 =	por $0x0, $0x0;
	s10 =	sand.u32 $0x70, s7;
	s9 =	sor.u32 s8, s5;
	[tilespmem:$0x1000] =	vst v0  }
0xc: {  	v1 =	vlaneseq.u32;
	p0 =	por $0x0, $0x0;
	s11 =	sshll.u32 s1, $0xC;
	s10 =	sor.u32 s10, s5;
	v7 =	vld [tilespmem:s9+$0x0]  }
0xd: {  	v2 =	vor.u32 s11, v1;
	s4 =	simm.s32 $0x1000;
	s8 =	simm.s32 $0x70;
	v0 =	vmov s11;
	s11 =	simm.s32 $0x200;
	v5 =	vld [tilespmem:s10+$0x0]  }
0xe: {  	s13 =	simm.s32 $0x40;
	s12 =	simm.s32 $0x10  }
0xf: {  	s19 =	sand.u32 $0xC00, s11;
	s30 =	sand.u32 $0x70, s8;
	p3 =	por $0x1, $0x1  }
.Ltmp1:
0x10: {  	s15 =	sand.u32 $0x40, s13;
	s31 =	sor.u32 s30, s19;
	(pc) =	sbr.rel @!p3 .LBB2_3-.Ltmp1, $4  }
0x11: {  	s14 =	simm.s32 $0x20;
	s16 =	sand.u32 $0x50, s12;
	s15 =	sor.u32 s15, s19;
	v11 =	vld [tilespmem:s31+$0x0]  }
0x12: {  	s17 =	sand.u32 $0x60, s14;
	s29 =	sor.u32 s16, s5;
	v10 =	vld [tilespmem:s15+$0x0]  }
0x13: {  	v3 =	vor.u32 s12, v2;
	s17 =	sor.u32 s17, s5;
	v4 =	vld [tilespmem:s29+$0x0];
	vm3 =	vlt.s32 v7, $0x2  }
0x14: {  	p2 =	por $0x1, $0x1;
	s12 =	simm.s32 $0xB0;
	s16 =	simm.s32 $0x400;
	v6 =	vld [tilespmem:s17+$0x0];
	v7 =	vshll.u32 v7, $0x3;
	vm2 =	vlt.s32 v5, $0x2;
	v5 =	vshll.u32 v5, $0x3  }
0x15: {  	_ =	sdelay $0x1  }
0x16: {  	s15 =	simm.s32 $0x80;
	s17 =	simm.s32 $0x50  }
0x17: {  	s18 =	sand.u32 $0xC00, s16;
	s29 =	sand.u32 $0x70, s12;
	p4 =	por $0x1, $0x1  }
.Ltmp2:
0x18: {  	v14 =	vor.u32 s7, v2;
	s20 =	sand.u32 $0x40, s15;
	s31 =	sor.u32 s29, s18;
	(pc) =	sbr.rel @!p4 .LBB2_5-.Ltmp2, $4  }
0x19: {  	s16 =	simm.s32 $0x60;
	v9 =	vor.u32 s6, v2;
	s21 =	sand.u32 $0x50, s17;
	[tilespmem:v5+s4+$0x0] =	vst.idx.msk vm2, v14;
	s20 =	sor.u32 s20, s18;
	v14 =	vld [tilespmem:s31+$0x0]  }
0x1a: {  	s22 =	sand.u32 $0x60, s16;
	v13 =	vor.u32 s17, v2;
	vm2 =	vlt.s32 v11, $0x2;
	s28 =	sor.u32 s21, s19;
	vm0 =	vlt.s32 v4, $0x2;
	v12 =	vld [tilespmem:s20+$0x0]  }
0x1b: {  	p3 =	por $0x1, $0x1;
	v5 =	vshll.u32 v11, $0x3;
	s30 =	sor.u32 s22, s19;
	v8 =	vshll.u32 v4, $0x3;
	v4 =	vld [tilespmem:s28+$0x0];
	vm1 =	vlt.s32 v6, $0x2  }
0x1c: {  	[tilespmem:v7+s4+$0x0] =	vst.idx.msk vm3, v9;
	s17 =	simm.s32 $0x70;
	vm3 =	vlt.s32 v10, $0x2;
	s19 =	simm.s32 $0xF0;
	v7 =	vshll.u32 v10, $0x3;
	s20 =	simm.s32 $0x600;
	v9 =	vshll.u32 v6, $0x3;
	v6 =	vld [tilespmem:s30+$0x0]  }
.LBB2_6:
0x1d: {  	s21 =	sadd.s32 $0xFFFFFFD0, s19  }
0x1e: {  	s22 =	sadd.s32 $0xFFFFFFE0, s12;
	s23 =	sadd.s32 $0xFFFFFFF0, s12;
	s24 =	smov.u32 s12  }
0x1f: {  	s12 =	smov.u32 s19;
	s26 =	sand.u32 $0xC00, s20;
	s28 =	sand.u32 $0x70, s19  }
0x20: {  	s25 =	sand.u32 $0x40, s21;
	[tilespmem:v8+s4+$0x0] =	vst.idx.msk vm0, v3;
	v8 =	vor.u32 s14, v2;
	v3 =	vmovc v13;
	v13 =	vor.u32 s22, v2;
	v10 =	vmov v12;
	s22 =	sand.u32 $0x50, s22;
	p4 =	slt.u32 s21, $0x1C0  }
.Ltmp3:
0x21: {  	v11 =	vor.u32 s13, v2;
	v15 =	vor.u32 s17, v2;
	s14 =	sor.u32 s25, s26;
	s25 =	sand.u32 $0x60, s23;
	vm0 =	vlt.s32 v4, $0x2;
	[tilespmem:v9+s4+$0x0] =	vst.idx.msk vm1, v8;
	(pc) =	sbr.rel @p4 .LBB2_6-.Ltmp3, $4  }
0x22: {  	s17 =	sor.u32 s28, s26;
	s13 =	sor.u32 s22, s18;
	v8 =	vshll.u32 v4, $0x3;
	v12 =	vld [tilespmem:s14+$0x0];
	s14 =	sor.u32 s25, s18;
	[tilespmem:v7+s4+$0x0] =	vst.idx.msk vm3, v11;
	vm3 =	vlt.s32 v10, $0x2;
	vm1 =	vlt.s32 v6, $0x2  }
0x23: {  	v9 =	vshll.u32 v6, $0x3;
	v4 =	vld [tilespmem:s13+$0x0];
	[tilespmem:v5+s4+$0x0] =	vst.idx.msk vm2, v15;
	vm2 =	vlt.s32 v14, $0x2;
	s13 =	smov.u32 s15;
	s15 =	smov.u32 s21  }
0x24: {  	v7 =	vshll.u32 v10, $0x3;
	s18 =	smov.u32 s26;
	v6 =	vld [tilespmem:s14+$0x0];
	s14 =	smov.u32 s16;
	s16 =	smov.u32 s23  }
0x25: {  	s19 =	sadd.s32 $0x40, s19;
	s20 =	sadd.s32 $0x200, s20;
	v5 =	vshll.u32 v14, $0x3;
	v14 =	vld [tilespmem:s17+$0x0];
	s17 =	smov.u32 s24  }
0x26: {  	_ =	sdelay $0x2  }
0x27: {  	s20 =	smov.u32 s14;
	s21 =	smov.u32 s13  }
0x28: {  	v15 =	vmovc v3;
	v3 =	vmov v13;
	s19 =	smov.u32 s18;
	s13 =	smov.u32 s15;
	s14 =	smov.u32 s16;
	v10 =	vmov v12;
	v11 =	vmov v14  }
.LBB2_8:
0x29: {  	s15 =	sadd.s32 $0xFFFFFFE0, s12  }
0x2a: {  	s16 =	sadd.s32 $0xFFFFFFF0, s12;
	s18 =	sand.u32 $0x50, s15  }
0x2b: {  	s22 =	sand.u32 $0x60, s16;
	s18 =	sor.u32 s18, s19  }
0x2c: {  	vm4 =	vlt.s32 @p2 v4, $0x2;
	s31 =	sor.u32 s22, s19;
	v12 =	vld [tilespmem:s18+$0x0]  }
0x2d: {  	v4 =	vshll.u32 @p2 v4, $0x3;
	vm5 =	vlt.s32 @p2 v6, $0x2;
	vm4 =	vmmov @p2 vm4;
	v13 =	vld [tilespmem:s31+$0x0]  }
0x2e: {  	v6 =	vshll.u32 @p2 v6, $0x3;
	vm12 =	vlt.s32 v10, $0x2;
	v4 =	vpsel p2, v4, v0  }
0x2f: {  	[tilespmem:v8+s4+$0x0] =	vst.idx.msk @p3 vm0, v15;
	v8 =	vor.u32 @p3 s20, v2;
	v62 =	vshll.u32 v10, $0x3;
	vm5 =	vmmov @p2 vm5  }
0x30: {  	vm13 =	vlt.s32 v11, $0x2;
	v6 =	vpsel p2, v6, v0;
	[tilespmem:v9+s4+$0x0] =	vst.idx.msk @p3 vm1, v8;
	v8 =	vor.u32 @p2 s21, v2  }
0x31: {  	v63 =	vshll.u32 v11, $0x3;
	[tilespmem:v7+s4+$0x0] =	vst.idx.msk @p2 vm3, v8;
	v7 =	vor.u32 @p2 s17, v2;
	vm14 =	vlt.s32 v12, $0x2  }
0x32: {  	v3 =	vpsel p2, v3, v0;
	[tilespmem:v5+s4+$0x0] =	vst.idx.msk @p2 vm2, v7;
	v5 =	vshll.u32 v12, $0x3;
	vm15 =	vlt.s32 v13, $0x2  }
0x33: {  	s14 =	smov.u32 @p2 s14;
	v7 =	vor.u32 s13, v2;
	[tilespmem:v4+s4+$0x0] =	vst.idx.msk @p2 vm4, v3;
	v4 =	vshll.u32 v13, $0x3  }
0x34: {  	[tilespmem:v62+s4+$0x0] =	vst.idx.msk vm12, v7;
	v3 =	vor.u32 @p2 s14, v2  }
0x35: {  	[tilespmem:v6+s4+$0x0] =	vst.idx.msk @p2 vm5, v3;
	v3 =	vor.u32 s12, v2  }
.Ltmp4:
0x36: {  	v6 =	vor.u32 s15, v2;
	[tilespmem:v63+s4+$0x0] =	vst.idx.msk vm13, v3;
	(pc) =	sbr.rel @!p1 .LBB2_9-.Ltmp4, $4  }
0x37: {  	v2 =	vor.u32 s16, v2;
	[tilespmem:v5+s4+$0x0] =	vst.idx.msk vm14, v6  }
0x38: {  	[tilespmem:v4+s4+$0x0] =	vst.idx.msk vm15, v2  }
0x39: {  	v1 =	vor.u32 $0x200, v1;
	v4 =	vld [tilespmem:s9+$0x80]  }
0x3a: {  	v1 =	vor.u32 v1, v0;
	v2 =	vld [tilespmem:s10+$0x80]  }
0x3b: {  	s12 =	simm.s32 $0x40;
	s9 =	simm.s32 $0x10;
	s14 =	sand.u32 $0xC00, s11  }
0x3c: {  	s10 =	simm.s32 $0x20;
	p2 =	por $0x1, $0x1;
	s13 =	sand.u32 $0x40, s12  }
.Ltmp5:
0x3d: {  	s26 =	sand.u32 $0x50, s9;
	s11 =	sor.u32 s13, s14;
	(pc) =	sbr.rel @!p2 .LBB2_11-.Ltmp5, $4  }
0x3e: {  	s15 =	sand.u32 $0x60, s10;
	s28 =	sor.u32 s26, s5;
	v9 =	vld [tilespmem:s11+$0x80]  }
0x3f: {  	s29 =	sand.u32 $0x70, s8;
	v3 =	vor.u32 s9, v1;
	s30 =	sor.u32 s15, s5;
	v7 =	vld [tilespmem:s28+$0x80]  }
0x40: {  	s31 =	sor.u32 s29, s14;
	v5 =	vshll.u32 v4, $0x3;
	v11 =	vld [tilespmem:s30+$0x80];
	vm1 =	vlt.s32 v4, $0x2;
	v8 =	vshll.u32 v2, $0x3  }
0x41: {  	p1 =	por $0x1, $0x1;
	s9 =	simm.s32 $0xB0;
	s5 =	simm.s32 $0x400;
	vm0 =	vlt.s32 v2, $0x2;
	v6 =	vor.u32 $0x1, v5;
	v2 =	vld [tilespmem:s31+$0x80];
	v5 =	vor.u32 $0x1, v8  }
0x42: {  	_ =	sdelay $0x1  }
0x43: {  	s11 =	simm.s32 $0x80;
	s15 =	simm.s32 $0x50;
	s5 =	sand.u32 $0xC00, s5  }
0x44: {  	s13 =	simm.s32 $0x60;
	p2 =	por $0x1, $0x1;
	s16 =	sand.u32 $0x40, s11  }
.Ltmp6:
0x45: {  	v4 =	vor.u32 s6, v1;
	v12 =	vor.u32 s7, v1;
	v10 =	vor.u32 s15, v1;
	s25 =	sand.u32 $0x50, s15;
	s24 =	sor.u32 s16, s5;
	(pc) =	sbr.rel @!p2 .LBB2_13-.Ltmp6, $4  }
0x46: {  	s26 =	sand.u32 $0x60, s13;
	[tilespmem:v6+s4+$0x0] =	vst.idx.msk vm1, v4;
	v6 =	vshll.u32 v7, $0x3;
	vm2 =	vlt.s32 v7, $0x2;
	v7 =	vshll.u32 v9, $0x3;
	s28 =	sor.u32 s25, s14;
	v4 =	vld [tilespmem:s24+$0x80]  }
0x47: {  	s29 =	sand.u32 $0x70, s9;
	vm1 =	vlt.s32 v9, $0x2;
	s30 =	sor.u32 s26, s14;
	v8 =	vor.u32 $0x1, v6;
	v6 =	vor.u32 $0x1, v7;
	v7 =	vld [tilespmem:s28+$0x80]  }
0x48: {  	[tilespmem:v5+s4+$0x0] =	vst.idx.msk vm0, v12;
	s31 =	sor.u32 s29, s5;
	v12 =	vld [tilespmem:s30+$0x80];
	v9 =	vshll.u32 v11, $0x3;
	vm3 =	vlt.s32 v11, $0x2;
	v5 =	vshll.u32 v2, $0x3  }
0x49: {  	s6 =	simm.s32 $0xF0;
	s7 =	simm.s32 $0x600;
	p0 =	por $0x1, $0x1;
	vm0 =	vlt.s32 v2, $0x2;
	v2 =	vld [tilespmem:s31+$0x80];
	v9 =	vor.u32 $0x1, v9;
	v5 =	vor.u32 $0x1, v5  }
.LBB2_14:
0x4a: {  	s14 =	sadd.s32 $0xFFFFFFD0, s6  }
0x4b: {  	s15 =	sadd.s32 $0xFFFFFFE0, s9;
	s16 =	sadd.s32 $0xFFFFFFF0, s9;
	s17 =	smov.u32 s9  }
0x4c: {  	s9 =	smov.u32 s6;
	s19 =	sand.u32 $0xC00, s7;
	s20 =	sand.u32 $0x70, s6  }
0x4d: {  	v11 =	vor.u32 s12, v1;
	v13 =	vor.u32 s8, v1;
	s18 =	sand.u32 $0x40, s14;
	[tilespmem:v8+s4+$0x0] =	vst.idx.msk vm2, v3;
	v3 =	vmovc v10;
	v10 =	vor.u32 s15, v1;
	s12 =	sand.u32 $0x50, s15;
	p2 =	slt.u32 s14, $0x1C0  }
.Ltmp7:
0x4e: {  	s15 =	sand.u32 $0x60, s16;
	s8 =	sor.u32 s18, s19;
	[tilespmem:v6+s4+$0x0] =	vst.idx.msk vm1, v11;
	v6 =	vshll.u32 v7, $0x3;
	vm2 =	vlt.s32 v7, $0x2;
	v11 =	vor.u32 s10, v1;
	(pc) =	sbr.rel @p2 .LBB2_14-.Ltmp7, $4  }
0x4f: {  	s18 =	sor.u32 s20, s19;
	v7 =	vshll.u32 v4, $0x3;
	vm1 =	vlt.s32 v4, $0x2;
	v4 =	vld [tilespmem:s8+$0x80];
	s8 =	sor.u32 s12, s5;
	s5 =	sor.u32 s15, s5;
	v8 =	vor.u32 $0x1, v6;
	[tilespmem:v5+s4+$0x0] =	vst.idx.msk vm0, v13  }
0x50: {  	v6 =	vor.u32 $0x1, v7;
	s12 =	smov.u32 s11;
	s11 =	smov.u32 s14;
	v7 =	vld [tilespmem:s8+$0x80];
	v5 =	vshll.u32 v2, $0x3;
	vm0 =	vlt.s32 v2, $0x2;
	[tilespmem:v9+s4+$0x0] =	vst.idx.msk vm3, v11  }
0x51: {  	s10 =	smov.u32 s13;
	s13 =	smov.u32 s16;
	v9 =	vshll.u32 v12, $0x3;
	vm3 =	vlt.s32 v12, $0x2;
	v5 =	vor.u32 $0x1, v5;
	v12 =	vld [tilespmem:s5+$0x80];
	s5 =	smov.u32 s19  }
0x52: {  	s6 =	sadd.s32 $0x40, s6;
	s7 =	sadd.s32 $0x200, s7;
	s8 =	smov.u32 s17;
	v9 =	vor.u32 $0x1, v9;
	v2 =	vld [tilespmem:s18+$0x80]  }
0x53: {  	_ =	sdelay $0x1  }
0x54: {  	s15 =	smov.u32 s10  }
0x55: {  	v13 =	vmov v3;
	s7 =	smov.u32 s8;
	v3 =	vmov v10;
	s6 =	smov.u32 s11;
	s10 =	smov.u32 s13;
	v11 =	vmov v12  }
.LBB2_16:
0x56: {  	_ =	sdelay $0x1  }
0x57: {  	s8 =	sadd.s32 $0xFFFFFFE0, s9  }
0x58: {  	s11 =	sadd.s32 $0xFFFFFFF0, s9;
	v10 =	vor.u32 @p1 s12, v1;
	s25 =	sand.u32 $0x50, s8  }
0x59: {  	v12 =	vor.u32 @p1 s7, v1;
	v14 =	vshll.u32 @p1 v7, $0x3;
	vm4 =	vlt.s32 @p1 v7, $0x2;
	s26 =	sand.u32 $0x60, s11;
	s12 =	sor.u32 s25, s5  }
0x5a: {  	v15 =	vshll.u32 v4, $0x3;
	vm5 =	vlt.s32 v4, $0x2;
	[tilespmem:v8+s4+$0x0] =	vst.idx.msk @p0 vm2, v13;
	vm2 =	vlt.s32 @p1 v11, $0x2;
	s28 =	sor.u32 s26, s5;
	v4 =	vld [tilespmem:s12+$0x80]  }
0x5b: {  	v8 =	vshll.u32 @p1 v11, $0x3;
	v14 =	vor.u32 @p1 $0x1, v14;
	vm4 =	vmmov @p1 vm4;
	v16 =	vld [tilespmem:s28+$0x80]  }
0x5c: {  	[tilespmem:v6+s4+$0x0] =	vst.idx.msk @p1 vm1, v10;
	v6 =	vor.u32 @p1 $0x1, v8;
	vm1 =	vmmov @p1 vm2;
	v14 =	vpsel p1, v14, v0  }
0x5d: {  	v7 =	vor.u32 @p0 s15, v1;
	vm6 =	vlt.s32 v2, $0x2;
	[tilespmem:v5+s4+$0x0] =	vst.idx.msk @p1 vm0, v12;
	v5 =	vpsel p1, v6, v0  }
0x5e: {  	v2 =	vshll.u32 v2, $0x3;
	v3 =	vpsel p1, v3, v0;
	v15 =	vor.u32 $0x1, v15  }
0x5f: {  	v2 =	vor.u32 $0x1, v2;
	s5 =	smov.u32 @p1 s10;
	v6 =	vshll.u32 v4, $0x3;
	vm14 =	vlt.s32 v4, $0x2  }
0x60: {  	[tilespmem:v9+s4+$0x0] =	vst.idx.msk @p0 vm3, v7;
	s5 =	smov.u32 @p1 s5;
	vm15 =	vlt.s32 v16, $0x2;
	v4 =	vor.u32 $0x1, v6;
	v6 =	vshll.u32 v16, $0x3  }
0x61: {  	v7 =	vor.u32 @p1 s5, v1;
	[tilespmem:v14+s4+$0x0] =	vst.idx.msk @p1 vm4, v3;
	v6 =	vor.u32 $0x1, v6  }
0x62: {  	v3 =	vor.u32 s6, v1;
	[tilespmem:v5+s4+$0x0] =	vst.idx.msk @p1 vm1, v7  }
0x63: {  	p1 =	por $0x1, $0x1;
	[tilespmem:v15+s4+$0x0] =	vst.idx.msk vm5, v3;
	v3 =	vor.u32 s9, v1  }
.Ltmp8:
0x64: {  	s29 =	simm.s32 $0x0;
	s7 =	simm.s32 $0x0;
	[tilespmem:v2+s4+$0x0] =	vst.idx.msk vm6, v3;
	v2 =	vor.u32 s8, v1;
	(pc) =	sbr.rel @!p1 .LBB2_17-.Ltmp8, $4  }
0x65: {  	s30 =	sand.u32 $0x40, s7;
	s5 =	sand.u32 $0xC00, s29;
	s6 =	simm.s32 $0x30;
	v1 =	vor.u32 s11, v1;
	[tilespmem:v4+s4+$0x0] =	vst.idx.msk vm14, v2  }
0x66: {  	s31 =	sand.u32 $0x70, s6;
	s9 =	sor.u32 s30, s5;
	[tilespmem:v6+s4+$0x0] =	vst.idx.msk vm15, v1;
	v1 =	vlaneseq.u32  }
0x67: {  	p2 =	por $0x0, $0x0;
	p0 =	por $0x0, $0x0;
	s11 =	sor.u32 s31, s5;
	v2 =	vor.u32 $0x400, v1;
	v5 =	vld [tilespmem:s9+$0x100]  }
0x68: {  	s10 =	simm.s32 $0x200;
	s8 =	simm.s32 $0x70;
	s4 =	simm.s32 $0x1000;
	v3 =	vld [tilespmem:s11+$0x100];
	v2 =	vor.u32 v2, v0  }
0x69: {  	s13 =	simm.s32 $0x40;
	s12 =	simm.s32 $0x10;
	s17 =	sand.u32 $0xC00, s10  }
0x6a: {  	s14 =	simm.s32 $0x20;
	p3 =	por $0x1, $0x1;
	s15 =	sand.u32 $0x40, s13  }
.Ltmp9:
0x6b: {  	s16 =	sand.u32 $0x50, s12;
	s15 =	sor.u32 s15, s17;
	(pc) =	sbr.rel @!p3 .LBB2_19-.Ltmp9, $4  }
0x6c: {  	s18 =	sand.u32 $0x60, s14;
	s28 =	sor.u32 s16, s5;
	v13 =	vld [tilespmem:s15+$0x100]  }
0x6d: {  	s29 =	sand.u32 $0x70, s8;
	v4 =	vor.u32 s12, v2;
	s30 =	sor.u32 s18, s5;
	v7 =	vld [tilespmem:s28+$0x100]  }
0x6e: {  	s31 =	sor.u32 s29, s17;
	v6 =	vshll.u32 v5, $0x3;
	v12 =	vld [tilespmem:s30+$0x100];
	vm1 =	vlt.s32 v5, $0x2;
	v8 =	vshll.u32 v3, $0x3  }
0x6f: {  	p2 =	por $0x1, $0x1;
	s12 =	simm.s32 $0xB0;
	s16 =	simm.s32 $0x400;
	vm0 =	vlt.s32 v3, $0x2;
	v6 =	vor.u32 $0x2, v6;
	v3 =	vld [tilespmem:s31+$0x100];
	v5 =	vor.u32 $0x2, v8  }
0x70: {  	_ =	sdelay $0x1  }
0x71: {  	s15 =	simm.s32 $0x80;
	s19 =	simm.s32 $0x50;
	s18 =	sand.u32 $0xC00, s16  }
0x72: {  	s16 =	simm.s32 $0x60;
	p4 =	por $0x1, $0x1;
	s20 =	sand.u32 $0x40, s15  }
.Ltmp10:
0x73: {  	v8 =	vor.u32 s7, v2;
	v9 =	vor.u32 s6, v2;
	v10 =	vor.u32 s19, v2;
	s19 =	sand.u32 $0x50, s19;
	s20 =	sor.u32 s20, s18;
	(pc) =	sbr.rel @!p4 .LBB2_21-.Ltmp10, $4  }
0x74: {  	s21 =	sand.u32 $0x60, s16;
	[tilespmem:v6+s4+$0x0] =	vst.idx.msk vm1, v8;
	v6 =	vshll.u32 v7, $0x3;
	vm2 =	vlt.s32 v7, $0x2;
	v7 =	vshll.u32 v13, $0x3;
	s19 =	sor.u32 s19, s17;
	v11 =	vld [tilespmem:s20+$0x100]  }
0x75: {  	s29 =	sand.u32 $0x70, s12;
	vm1 =	vlt.s32 v13, $0x2;
	s30 =	sor.u32 s21, s17;
	v8 =	vor.u32 $0x2, v6;
	v6 =	vor.u32 $0x2, v7;
	v7 =	vld [tilespmem:s19+$0x100]  }
0x76: {  	p3 =	por $0x1, $0x1;
	[tilespmem:v5+s4+$0x0] =	vst.idx.msk vm0, v9;
	s31 =	sor.u32 s29, s18;
	v14 =	vld [tilespmem:s30+$0x100];
	v9 =	vshll.u32 v12, $0x3;
	vm3 =	vlt.s32 v12, $0x2;
	v5 =	vshll.u32 v3, $0x3  }
0x77: {  	s17 =	simm.s32 $0xF0;
	s20 =	simm.s32 $0x600;
	s19 =	simm.s32 $0x70;
	vm0 =	vlt.s32 v3, $0x2;
	v3 =	vld [tilespmem:s31+$0x100];
	v9 =	vor.u32 $0x2, v9;
	v5 =	vor.u32 $0x2, v5  }
.LBB2_22:
0x78: {  	s21 =	sadd.s32 $0xFFFFFFD0, s17  }
0x79: {  	s22 =	sadd.s32 $0xFFFFFFE0, s12;
	s23 =	sadd.s32 $0xFFFFFFF0, s12;
	s24 =	smov.u32 s12  }
0x7a: {  	s12 =	smov.u32 s17;
	s26 =	sand.u32 $0xC00, s20;
	s28 =	sand.u32 $0x70, s17  }
0x7b: {  	v12 =	vor.u32 s13, v2;
	v13 =	vor.u32 s19, v2;
	s25 =	sand.u32 $0x40, s21;
	[tilespmem:v8+s4+$0x0] =	vst.idx.msk vm2, v4;
	v4 =	vmovc v10;
	v10 =	vor.u32 s22, v2;
	s19 =	sand.u32 $0x50, s22;
	p4 =	slt.u32 s21, $0x1C0  }
.Ltmp11:
0x7c: {  	s22 =	sand.u32 $0x60, s23;
	s13 =	sor.u32 s25, s26;
	[tilespmem:v6+s4+$0x0] =	vst.idx.msk vm1, v12;
	v6 =	vshll.u32 v7, $0x3;
	vm2 =	vlt.s32 v7, $0x2;
	v12 =	vor.u32 s14, v2;
	(pc) =	sbr.rel @p4 .LBB2_22-.Ltmp11, $4  }
0x7d: {  	s25 =	sor.u32 s28, s26;
	v7 =	vshll.u32 v11, $0x3;
	vm1 =	vlt.s32 v11, $0x2;
	s14 =	sor.u32 s22, s18;
	v11 =	vld [tilespmem:s13+$0x100];
	s13 =	sor.u32 s19, s18;
	v8 =	vor.u32 $0x2, v6;
	[tilespmem:v5+s4+$0x0] =	vst.idx.msk vm0, v13  }
0x7e: {  	v6 =	vor.u32 $0x2, v7;
	v7 =	vld [tilespmem:s13+$0x100];
	v5 =	vshll.u32 v3, $0x3;
	vm0 =	vlt.s32 v3, $0x2;
	[tilespmem:v9+s4+$0x0] =	vst.idx.msk vm3, v12;
	s13 =	smov.u32 s15;
	s15 =	smov.u32 s21  }
0x7f: {  	s18 =	smov.u32 s26;
	v9 =	vshll.u32 v14, $0x3;
	vm3 =	vlt.s32 v14, $0x2;
	v5 =	vor.u32 $0x2, v5;
	v14 =	vld [tilespmem:s14+$0x100];
	s14 =	smov.u32 s16;
	s16 =	smov.u32 s23  }
0x80: {  	s17 =	sadd.s32 $0x40, s17;
	s20 =	sadd.s32 $0x200, s20;
	s19 =	smov.u32 s24;
	v9 =	vor.u32 $0x2, v9;
	v3 =	vld [tilespmem:s25+$0x100]  }
0x81: {  	_ =	sdelay $0x1  }
0x82: {  	s20 =	smov.u32 s13;
	s21 =	smov.u32 s14  }
0x83: {  	v15 =	vmovc v4;
	v4 =	vmov v10;
	s17 =	smov.u32 s18;
	s13 =	smov.u32 s15;
	s14 =	smov.u32 s16;
	v13 =	vmov v11;
	v12 =	vmov v14  }
.LBB2_24:
0x84: {  	s15 =	sadd.s32 $0xFFFFFFE0, s12  }
0x85: {  	s16 =	sadd.s32 $0xFFFFFFF0, s12;
	v10 =	vor.u32 @p2 s20, v2;
	s18 =	sand.u32 $0x50, s15  }
0x86: {  	v11 =	vor.u32 @p2 s19, v2;
	v14 =	vshll.u32 @p2 v7, $0x3;
	vm4 =	vlt.s32 @p2 v7, $0x2;
	s30 =	sand.u32 $0x60, s16;
	s18 =	sor.u32 s18, s17  }
0x87: {  	v7 =	vor.u32 @p3 s21, v2;
	v16 =	vshll.u32 v13, $0x3;
	vm5 =	vlt.s32 v13, $0x2;
	s31 =	sor.u32 s30, s17;
	v63 =	vld [tilespmem:s18+$0x100]  }
0x88: {  	vm6 =	vlt.s32 v3, $0x2;
	v14 =	vor.u32 @p2 $0x2, v14;
	vm4 =	vmmov @p2 vm4;
	v17 =	vld [tilespmem:s31+$0x100]  }
0x89: {  	v3 =	vshll.u32 v3, $0x3;
	[tilespmem:v8+s4+$0x0] =	vst.idx.msk @p3 vm2, v15;
	vm2 =	vlt.s32 @p2 v12, $0x2;
	v14 =	vpsel p2, v14, v0  }
0x8a: {  	v8 =	vshll.u32 @p2 v12, $0x3;
	v4 =	vpsel p2, v4, v0;
	v16 =	vor.u32 $0x2, v16  }
0x8b: {  	v3 =	vor.u32 $0x2, v3;
	[tilespmem:v6+s4+$0x0] =	vst.idx.msk @p2 vm1, v10;
	v6 =	vor.u32 @p2 $0x2, v8;
	vm1 =	vmmov @p2 vm2  }
0x8c: {  	[tilespmem:v5+s4+$0x0] =	vst.idx.msk @p2 vm0, v11;
	v5 =	vpsel p2, v6, v0;
	v6 =	vshll.u32 v63, $0x3;
	vm14 =	vlt.s32 v63, $0x2  }
0x8d: {  	[tilespmem:v9+s4+$0x0] =	vst.idx.msk @p3 vm3, v7;
	v7 =	vshll.u32 v17, $0x3;
	vm15 =	vlt.s32 v17, $0x2;
	v6 =	vor.u32 $0x2, v6  }
0x8e: {  	[tilespmem:v14+s4+$0x0] =	vst.idx.msk @p2 vm4, v4;
	v4 =	vor.u32 s13, v2;
	v7 =	vor.u32 $0x2, v7  }
0x8f: {  	s13 =	smov.u32 @p2 s14;
	[tilespmem:v16+s4+$0x0] =	vst.idx.msk vm5, v4;
	v4 =	vor.u32 s12, v2  }
0x90: {  	v8 =	vor.u32 @p2 s13, v2;
	[tilespmem:v3+s4+$0x0] =	vst.idx.msk vm6, v4  }
.Ltmp12:
0x91: {  	v3 =	vor.u32 s15, v2;
	[tilespmem:v5+s4+$0x0] =	vst.idx.msk @p2 vm1, v8;
	(pc) =	sbr.rel @!p1 .LBB2_25-.Ltmp12, $4  }
0x92: {  	v2 =	vor.u32 s16, v2;
	[tilespmem:v6+s4+$0x0] =	vst.idx.msk vm14, v3  }
0x93: {  	[tilespmem:v7+s4+$0x0] =	vst.idx.msk vm15, v2  }
0x94: {  	v1 =	vor.u32 $0x600, v1;
	v4 =	vld [tilespmem:s9+$0x180]  }
0x95: {  	v1 =	vor.u32 v1, v0;
	v2 =	vld [tilespmem:s11+$0x180]  }
0x96: {  	s11 =	simm.s32 $0x40;
	s12 =	simm.s32 $0x10;
	s14 =	sand.u32 $0xC00, s10  }
0x97: {  	s9 =	simm.s32 $0x20;
	p2 =	por $0x1, $0x1;
	s13 =	sand.u32 $0x40, s11  }
.Ltmp13:
0x98: {  	s26 =	sand.u32 $0x50, s12;
	s10 =	sor.u32 s13, s14;
	(pc) =	sbr.rel @!p2 .LBB2_27-.Ltmp13, $4  }
0x99: {  	s15 =	sand.u32 $0x60, s9;
	s28 =	sor.u32 s26, s5;
	v9 =	vld [tilespmem:s10+$0x180]  }
0x9a: {  	s29 =	sand.u32 $0x70, s8;
	v3 =	vor.u32 s12, v1;
	s30 =	sor.u32 s15, s5;
	v7 =	vld [tilespmem:s28+$0x180]  }
0x9b: {  	s31 =	sor.u32 s29, s14;
	v5 =	vshll.u32 v4, $0x3;
	v11 =	vld [tilespmem:s30+$0x180];
	vm1 =	vlt.s32 v4, $0x2;
	v8 =	vshll.u32 v2, $0x3  }
0x9c: {  	p1 =	por $0x1, $0x1;
	s5 =	simm.s32 $0x400;
	s10 =	simm.s32 $0xB0;
	vm0 =	vlt.s32 v2, $0x2;
	v6 =	vor.u32 $0x3, v5;
	v2 =	vld [tilespmem:s31+$0x180];
	v5 =	vor.u32 $0x3, v8  }
0x9d: {  	_ =	sdelay $0x1  }
0x9e: {  	s12 =	simm.s32 $0x80;
	s15 =	simm.s32 $0x50;
	s5 =	sand.u32 $0xC00, s5  }
0x9f: {  	s13 =	simm.s32 $0x60;
	p2 =	por $0x1, $0x1;
	s16 =	sand.u32 $0x40, s12  }
.Ltmp14:
0xa0: {  	v4 =	vor.u32 s7, v1;
	v12 =	vor.u32 s6, v1;
	v10 =	vor.u32 s15, v1;
	s25 =	sand.u32 $0x50, s15;
	s24 =	sor.u32 s16, s5;
	(pc) =	sbr.rel @!p2 .LBB2_29-.Ltmp14, $4  }
0xa1: {  	s26 =	sand.u32 $0x60, s13;
	[tilespmem:v6+s4+$0x0] =	vst.idx.msk vm1, v4;
	v6 =	vshll.u32 v7, $0x3;
	vm2 =	vlt.s32 v7, $0x2;
	v7 =	vshll.u32 v9, $0x3;
	s28 =	sor.u32 s25, s14;
	v4 =	vld [tilespmem:s24+$0x180]  }
0xa2: {  	s29 =	sand.u32 $0x70, s10;
	vm1 =	vlt.s32 v9, $0x2;
	s30 =	sor.u32 s26, s14;
	v8 =	vor.u32 $0x3, v6;
	v6 =	vor.u32 $0x3, v7;
	v7 =	vld [tilespmem:s28+$0x180]  }
0xa3: {  	[tilespmem:v5+s4+$0x0] =	vst.idx.msk vm0, v12;
	s31 =	sor.u32 s29, s5;
	v12 =	vld [tilespmem:s30+$0x180];
	v9 =	vshll.u32 v11, $0x3;
	vm3 =	vlt.s32 v11, $0x2;
	v5 =	vshll.u32 v2, $0x3  }
0xa4: {  	s6 =	simm.s32 $0xF0;
	s7 =	simm.s32 $0x600;
	p0 =	por $0x1, $0x1;
	vm0 =	vlt.s32 v2, $0x2;
	v2 =	vld [tilespmem:s31+$0x180];
	v9 =	vor.u32 $0x3, v9;
	v5 =	vor.u32 $0x3, v5  }
.LBB2_30:
0xa5: {  	s14 =	sadd.s32 $0xFFFFFFD0, s6  }
0xa6: {  	s15 =	sadd.s32 $0xFFFFFFE0, s10;
	s16 =	sadd.s32 $0xFFFFFFF0, s10;
	s17 =	smov.u32 s10  }
0xa7: {  	s10 =	smov.u32 s6;
	s19 =	sand.u32 $0xC00, s7;
	s20 =	sand.u32 $0x70, s6  }
0xa8: {  	v11 =	vor.u32 s11, v1;
	v13 =	vor.u32 s8, v1;
	s18 =	sand.u32 $0x40, s14;
	[tilespmem:v8+s4+$0x0] =	vst.idx.msk vm2, v3;
	v3 =	vmovc v10;
	v10 =	vor.u32 s15, v1;
	s11 =	sand.u32 $0x50, s15;
	p2 =	slt.u32 s14, $0x1C0  }
.Ltmp15:
0xa9: {  	s15 =	sand.u32 $0x60, s16;
	s8 =	sor.u32 s18, s19;
	[tilespmem:v6+s4+$0x0] =	vst.idx.msk vm1, v11;
	v6 =	vshll.u32 v7, $0x3;
	vm2 =	vlt.s32 v7, $0x2;
	v11 =	vor.u32 s9, v1;
	(pc) =	sbr.rel @p2 .LBB2_30-.Ltmp15, $4  }
0xaa: {  	s18 =	sor.u32 s20, s19;
	v7 =	vshll.u32 v4, $0x3;
	vm1 =	vlt.s32 v4, $0x2;
	v4 =	vld [tilespmem:s8+$0x180];
	s8 =	sor.u32 s11, s5;
	s5 =	sor.u32 s15, s5;
	v8 =	vor.u32 $0x3, v6;
	[tilespmem:v5+s4+$0x0] =	vst.idx.msk vm0, v13  }
0xab: {  	v6 =	vor.u32 $0x3, v7;
	s11 =	smov.u32 s12;
	s12 =	smov.u32 s14;
	v7 =	vld [tilespmem:s8+$0x180];
	v5 =	vshll.u32 v2, $0x3;
	vm0 =	vlt.s32 v2, $0x2;
	[tilespmem:v9+s4+$0x0] =	vst.idx.msk vm3, v11  }
0xac: {  	s9 =	smov.u32 s13;
	s13 =	smov.u32 s16;
	v9 =	vshll.u32 v12, $0x3;
	vm3 =	vlt.s32 v12, $0x2;
	v5 =	vor.u32 $0x3, v5;
	v12 =	vld [tilespmem:s5+$0x180];
	s5 =	smov.u32 s19  }
0xad: {  	s6 =	sadd.s32 $0x40, s6;
	s7 =	sadd.s32 $0x200, s7;
	s8 =	smov.u32 s17;
	v9 =	vor.u32 $0x3, v9;
	v2 =	vld [tilespmem:s18+$0x180]  }
0xae: {  	_ =	sdelay $0x1  }
0xaf: {  	s15 =	smov.u32 s9  }
0xb0: {  	v13 =	vmov v3;
	s6 =	smov.u32 s8;
	v3 =	vmov v10;
	s7 =	smov.u32 s12;
	s9 =	smov.u32 s13;
	v11 =	vmov v12  }
.LBB2_32:
0xb1: {  	s13 =	sadd.s32 $0xFFFFFFE0, s10  }
0xb2: {  	s12 =	sadd.s32 $0xFFFFFFF0, s10;
	v10 =	vor.u32 @p1 s11, v1;
	s8 =	sand.u32 $0x50, s13  }
0xb3: {  	v12 =	vor.u32 @p1 s6, v1;
	v14 =	vshll.u32 @p1 v7, $0x3;
	vm4 =	vlt.s32 @p1 v7, $0x2;
	s24 =	sand.u32 $0x60, s12;
	s8 =	sor.u32 s8, s5  }
0xb4: {  	v15 =	vshll.u32 v4, $0x3;
	vm5 =	vlt.s32 @p1 v11, $0x2;
	v11 =	vshll.u32 @p1 v11, $0x3;
	s25 =	sor.u32 s24, s5;
	v16 =	vld [tilespmem:s8+$0x180]  }
0xb5: {  	vm12 =	vlt.s32 v4, $0x2;
	v14 =	vor.u32 @p1 $0x3, v14;
	vm4 =	vmmov @p1 vm4;
	v17 =	vld [tilespmem:s25+$0x180]  }
0xb6: {  	v11 =	vor.u32 @p1 $0x3, v11;
	vm5 =	vmmov @p1 vm5;
	v14 =	vpsel p1, v14, v0  }
0xb7: {  	[tilespmem:v8+s4+$0x0] =	vst.idx.msk @p0 vm2, v13;
	v4 =	vshll.u32 v2, $0x3;
	vm13 =	vlt.s32 v2, $0x2;
	v8 =	vpsel p1, v11, v0  }
0xb8: {  	v7 =	vor.u32 @p0 s15, v1;
	v3 =	vpsel p1, v3, v0;
	[tilespmem:v6+s4+$0x0] =	vst.idx.msk @p1 vm1, v10;
	v2 =	vor.u32 $0x3, v4  }
0xb9: {  	s6 =	simm.s32 $0x30;
	s26 =	simm.s32 $0x0;
	v62 =	vor.u32 $0x3, v15;
	[tilespmem:v5+s4+$0x0] =	vst.idx.msk @p1 vm0, v12;
	s5 =	smov.u32 @p1 s9;
	v4 =	vshll.u32 v16, $0x3;
	vm14 =	vlt.s32 v16, $0x2  }
0xba: {  	s14 =	simm.s32 $0x1;
	[tilespmem:v9+s4+$0x0] =	vst.idx.msk @p0 vm3, v7;
	p0 =	por $0x0, $0x0;
	s5 =	smov.u32 @p1 s5;
	v5 =	vshll.u32 v17, $0x3;
	vm15 =	vlt.s32 v17, $0x2;
	v4 =	vor.u32 $0x3, v4  }
0xbb: {  	s28 =	sand.u32 $0x7, s26;
	s29 =	sand.u32 $0x3, s26;
	s9 =	simm.s32 $0x1;
	[tilespmem:v14+s4+$0x0] =	vst.idx.msk @p1 vm4, v3;
	v3 =	vor.u32 @p1 s5, v1;
	v5 =	vor.u32 $0x3, v5  }
0xbc: {  	v63 =	vor.u32 s10, v1;
	s14 =	simm.s32 @!p0 $0x0;
	s10 =	sshll.u32 s29, $0x5;
	[tilespmem:v8+s4+$0x0] =	vst.idx.msk @p1 vm5, v3;
	p1 =	por $0x1, $0x1  }
.Ltmp16:
0xbd: {  	s8 =	simm.s32 $0x0;
	s11 =	sadd.s32 $0x20, s10;
	[tilespmem:v2+s4+$0x0] =	vst.idx.msk vm13, v63;
	v3 =	vor.u32 s7, v1;
	(pc) =	sbr.rel @!p1 .LBB2_33-.Ltmp16, $4  }
0xbe: {  	s30 =	sshll.u32 s14, $0x6;
	s31 =	sor.u32 $0x200, s11;
	s7 =	sshll.u32 s28, $0x4;
	[tilespmem:v62+s4+$0x0] =	vst.idx.msk vm12, v3;
	v3 =	vor.u32 s13, v1  }
0xbf: {  	v2 =	vor.u32 s12, v1;
	s12 =	sadd.s32 $0x0, s30;
	s5 =	simm.s32 $0x1000;
	s7 =	sadd.s32 $0x0, s7;
	v1 =	vlaneseq.u32;
	[tilespmem:v4+s4+$0x0] =	vst.idx.msk vm14, v3  }
0xc0: {  	s23 =	sor.u32 $0x200, s12;
	s10 =	sadd.s32 $0x10, s7;
	s7 =	sadd.s32 $0x30, s7;
	[tilespmem:v5+s4+$0x0] =	vst.idx.msk vm15, v2;
	v2 =	vor.u32 $0x800, v1  }
0xc1: {  	s20 =	sor.u32 $0x200, s10;
	s22 =	sor.u32 $0x200, s7;
	s4 =	simm.s32 $0x70;
	v2 =	vor.u32 v2, v0;
	v3 =	vld [tilespmem:s31+$0x0]  }
0xc2: {  	s13 =	simm.s32 $0x40;
	v4 =	vld [tilespmem:s23+$0x0];
	p4 =	por $0x1, $0x1  }
0xc3: {  	s18 =	simm.s32 $0x20;
	s14 =	simm.s32 $0x4;
	s15 =	simm.s32 $0x200  }
0xc4: {  	v5 =	vld [tilespmem:s22+$0x0];
	s16 =	simm.s32 $0x220;
	s17 =	simm.s32 $0x2;
	p2 =	por !p0, !p0  }
0xc5: {  	v7 =	vld [tilespmem:s20+$0x0];
	s20 =	simm.s32 $0x1;
	p3 =	por $0x1, $0x1;
	s19 =	sand.u32 $0x7, s14  }
0xc6: {  	s21 =	sand.u32 $0x3, s17;
	s20 =	simm.s32 @!p2 $0x0;
	v9 =	vor.u32 s18, v2;
	s18 =	simm.s32 $0x70;
	v6 =	vshll.u32 v3, $0x3;
	vm0 =	vlt.s32 v3, $0x2  }
.Ltmp17:
0xc7: {  	s19 =	sshll.u32 s19, $0x4;
	s21 =	sshll.u32 s21, $0x5;
	v3 =	vshll.u32 v4, $0x3;
	vm1 =	vlt.s32 v4, $0x2;
	v4 =	vor.u32 $0x4, v6;
	(pc) =	sbr.rel @!p4 .LBB2_35-.Ltmp17, $4  }
0xc8: {  	s20 =	sshll.u32 s20, $0x6;
	s19 =	sadd.s32 $0x200, s19;
	s21 =	sadd.s32 $0x220, s21;
	v6 =	vor.u32 $0x4, v3  }
0xc9: {  	s31 =	sadd.s32 $0x200, s20;
	s30 =	sadd.s32 $0x10, s19;
	s19 =	sadd.s32 $0x30, s19;
	v8 =	vshll.u32 v5, $0x3;
	vm3 =	vlt.s32 v5, $0x2  }
0xca: {  	s24 =	sor.u32 $0x200, s21;
	s23 =	sor.u32 $0x200, s31;
	s21 =	simm.s32 $0xB0;
	vm2 =	vlt.s32 v7, $0x2;
	v3 =	vshll.u32 v7, $0x3;
	v7 =	vor.u32 $0x4, v8  }
0xcb: {  	s20 =	sor.u32 $0x200, s30;
	s22 =	sor.u32 $0x200, s19;
	s19 =	simm.s32 $0x30;
	v8 =	vor.u32 s8, v2;
	v5 =	vor.u32 $0x4, v3;
	v3 =	vld [tilespmem:s24+$0x0]  }
.LBB2_36:
0xcc: {  	v10 =	vld [tilespmem:s23+$0x0];
	[tilespmem:v4+s5+$0x0] =	vst.idx.msk vm0, v9;
	s24 =	smov.u32 s13;
	s13 =	sadd.s32 $0xFFFFFFD0, s21;
	s15 =	sadd.s32 $0x200, s15  }
0xcd: {  	v4 =	vor.u32 s19, v2;
	p4 =	slt.u32 s13, $0x1C0;
	v9 =	vld [tilespmem:s22+$0x0];
	[tilespmem:v6+s5+$0x0] =	vst.idx.msk vm1, v8;
	s22 =	sadd.s32 $0xFFFFFFE0, s19;
	s19 =	smov.u32 s18  }
0xce: {  	s14 =	sadd.s32 $0x4, s14;
	s18 =	smov.u32 s21;
	v8 =	vld [tilespmem:s20+$0x0];
	s25 =	sadd.s32 $0xFFFFFFF0, s19;
	v6 =	vor.u32 s22, v2  }
0xcf: {  	s16 =	sadd.s32 $0x200, s16;
	p2 =	por !p2, !p2;
	s23 =	simm.s32 $0x1;
	[tilespmem:v7+s5+$0x0] =	vst.idx.msk vm3, v4  }
0xd0: {  	s17 =	sadd.s32 $0x2, s17;
	s23 =	simm.s32 @!p2 $0x0;
	s20 =	sand.u32 $0x7, s14;
	v4 =	vshll.u32 v3, $0x3;
	vm0 =	vlt.s32 v3, $0x2;
	[tilespmem:v5+s5+$0x0] =	vst.idx.msk vm2, v6  }
.Ltmp18:
0xd1: {  	s22 =	sand.u32 $0x3, s17;
	s20 =	sshll.u32 s20, $0x4;
	v3 =	vshll.u32 v10, $0x3;
	vm1 =	vlt.s32 v10, $0x2;
	v4 =	vor.u32 $0x4, v4;
	(pc) =	sbr.rel @p4 .LBB2_36-.Ltmp18, $4  }
0xd2: {  	s23 =	sshll.u32 s23, $0x6;
	s22 =	sshll.u32 s22, $0x5;
	s20 =	sadd.s32 s20, s15;
	v6 =	vor.u32 $0x4, v3  }
0xd3: {  	s22 =	sadd.s32 s22, s16;
	s26 =	sadd.s32 $0x10, s20;
	s28 =	sadd.s32 $0x30, s20;
	v7 =	vshll.u32 v9, $0x3;
	vm3 =	vlt.s32 v9, $0x2;
	v3 =	vshll.u32 v8, $0x3  }
0xd4: {  	s23 =	sadd.s32 s23, s15;
	s22 =	sor.u32 $0x200, s22;
	s20 =	sor.u32 $0x200, s26;
	vm2 =	vlt.s32 v8, $0x2;
	v7 =	vor.u32 $0x4, v7;
	v5 =	vor.u32 $0x4, v3  }
0xd5: {  	s21 =	sadd.s32 $0x40, s21;
	s23 =	sor.u32 $0x200, s23;
	v9 =	vor.u32 s25, v2;
	v8 =	vor.u32 s24, v2;
	v3 =	vld [tilespmem:s22+$0x0];
	s22 =	sor.u32 $0x200, s28  }
.LBB2_37:
0xd6: {  	v10 =	vld [tilespmem:s23+$0x0]  }
0xd7: {  	v11 =	vld [tilespmem:s22+$0x0]  }
0xd8: {  	v12 =	vld [tilespmem:s20+$0x0];
	_ =	sdelay $0x1  }
0xd9: {  	v13 =	vor.u32 @p3 s19, v2;
	vm4 =	vlt.s32 v3, $0x2;
	v3 =	vshll.u32 v3, $0x3  }
0xda: {  	vm5 =	vlt.s32 v10, $0x2;
	v10 =	vshll.u32 v10, $0x3;
	v3 =	vor.u32 $0x4, v3  }
0xdb: {  	[tilespmem:v4+s5+$0x0] =	vst.idx.msk @p3 vm0, v9;
	vm14 =	vlt.s32 v11, $0x2;
	v60 =	vshll.u32 v11, $0x3;
	v4 =	vor.u32 $0x4, v10  }
0xdc: {  	[tilespmem:v6+s5+$0x0] =	vst.idx.msk @p3 vm1, v8;
	s14 =	sadd.s32 @p3 $0xFFFFFFE0, s19;
	v61 =	vshll.u32 v12, $0x3;
	vm15 =	vlt.s32 v12, $0x2;
	v62 =	vor.u32 $0x4, v60  }
0xdd: {  	s15 =	sadd.s32 $0xFFFFFFF0, s18;
	[tilespmem:v7+s5+$0x0] =	vst.idx.msk @p3 vm3, v13;
	v7 =	vor.u32 @p3 s14, v2;
	v6 =	vor.u32 $0x4, v61  }
0xde: {  	[tilespmem:v5+s5+$0x0] =	vst.idx.msk @p3 vm2, v7;
	v5 =	vor.u32 s15, v2  }
.Ltmp19:
0xdf: {  	v63 =	vor.u32 s13, v2;
	[tilespmem:v3+s5+$0x0] =	vst.idx.msk vm4, v5;
	(pc) =	sbr.rel @!p1 .LBB2_38-.Ltmp19, $4  }
0xe0: {  	s31 =	sadd.s32 $0xFFFFFFE0, s18;
	v3 =	vor.u32 s18, v2;
	[tilespmem:v4+s5+$0x0] =	vst.idx.msk vm5, v63  }
0xe1: {  	v2 =	vor.u32 s31, v2;
	[tilespmem:v62+s5+$0x0] =	vst.idx.msk vm14, v3  }
0xe2: {  	v1 =	vor.u32 $0xA00, v1;
	s11 =	sor.u32 $0x280, s11;
	[tilespmem:v6+s5+$0x0] =	vst.idx.msk vm15, v2  }
0xe3: {  	s16 =	sor.u32 $0x280, s12;
	v1 =	vor.u32 v1, v0;
	s14 =	sor.u32 $0x280, s10;
	s15 =	sor.u32 $0x280, s7;
	v3 =	vld [tilespmem:s11+$0x0]  }
0xe4: {  	v2 =	vld [tilespmem:s16+$0x0]  }
0xe5: {  	s7 =	simm.s32 $0x40;
	p2 =	por $0x1, $0x1  }
0xe6: {  	v6 =	vld [tilespmem:s15+$0x0];
	s17 =	simm.s32 $0x20;
	s10 =	simm.s32 $0x200;
	s11 =	simm.s32 $0x4  }
0xe7: {  	v7 =	vld [tilespmem:s14+$0x0];
	s12 =	simm.s32 $0x220;
	s13 =	simm.s32 $0x2;
	p1 =	por !p0, !p0  }
0xe8: {  	p0 =	por $0x1, $0x1;
	s29 =	sand.u32 $0x7, s11;
	s30 =	sand.u32 $0x3, s13;
	v4 =	vshll.u32 v3, $0x3;
	vm0 =	vlt.s32 v3, $0x2  }
.Ltmp20:
0xe9: {  	s9 =	simm.s32 @!p1 $0x0;
	s14 =	sshll.u32 s29, $0x4;
	v3 =	vshll.u32 v2, $0x3;
	vm1 =	vlt.s32 v2, $0x2;
	v5 =	vor.u32 $0x5, v4;
	(pc) =	sbr.rel @!p2 .LBB2_40-.Ltmp20, $4  }
0xea: {  	s15 =	sshll.u32 s30, $0x5;
	s9 =	sshll.u32 s9, $0x6;
	s14 =	sadd.s32 $0x200, s14;
	v4 =	vor.u32 $0x5, v3  }
0xeb: {  	s15 =	sadd.s32 $0x220, s15;
	s9 =	sadd.s32 $0x200, s9;
	s31 =	sadd.s32 $0x10, s14;
	vm3 =	vlt.s32 v6, $0x2;
	v3 =	vshll.u32 v6, $0x3  }
0xec: {  	s18 =	sadd.s32 $0x30, s14;
	s15 =	sor.u32 $0x280, s15;
	s16 =	sor.u32 $0x280, s9;
	v2 =	vshll.u32 v7, $0x3;
	vm2 =	vlt.s32 v7, $0x2;
	v6 =	vor.u32 $0x5, v3  }
0xed: {  	v8 =	vor.u32 s17, v1;
	s9 =	simm.s32 $0xB0;
	s14 =	sor.u32 $0x280, s31;
	v7 =	vor.u32 s8, v1;
	v2 =	vor.u32 $0x5, v2;
	v3 =	vld [tilespmem:s15+$0x0];
	s15 =	sor.u32 $0x280, s18  }
.LBB2_41:
0xee: {  	v9 =	vld [tilespmem:s16+$0x0];
	[tilespmem:v5+s5+$0x0] =	vst.idx.msk vm0, v8;
	s8 =	smov.u32 s7;
	s7 =	sadd.s32 $0xFFFFFFD0, s9;
	s10 =	sadd.s32 $0x200, s10  }
0xef: {  	p2 =	slt.u32 s7, $0x1C0;
	v8 =	vld [tilespmem:s15+$0x0];
	[tilespmem:v4+s5+$0x0] =	vst.idx.msk vm1, v7;
	s15 =	sadd.s32 $0xFFFFFFE0, s6;
	v4 =	vor.u32 s6, v1;
	s6 =	smov.u32 s4  }
0xf0: {  	s11 =	sadd.s32 $0x4, s11;
	s4 =	smov.u32 s9;
	v7 =	vld [tilespmem:s14+$0x0];
	s17 =	sadd.s32 $0xFFFFFFF0, s6;
	v5 =	vor.u32 s15, v1  }
0xf1: {  	s12 =	sadd.s32 $0x200, s12;
	p1 =	por !p1, !p1;
	s16 =	simm.s32 $0x1;
	[tilespmem:v6+s5+$0x0] =	vst.idx.msk vm3, v4  }
0xf2: {  	s13 =	sadd.s32 $0x2, s13;
	s16 =	simm.s32 @!p1 $0x0;
	s14 =	sand.u32 $0x7, s11;
	v4 =	vshll.u32 v3, $0x3;
	vm0 =	vlt.s32 v3, $0x2;
	[tilespmem:v2+s5+$0x0] =	vst.idx.msk vm2, v5  }
.Ltmp21:
0xf3: {  	s15 =	sand.u32 $0x3, s13;
	s14 =	sshll.u32 s14, $0x4;
	v2 =	vshll.u32 v9, $0x3;
	vm1 =	vlt.s32 v9, $0x2;
	v5 =	vor.u32 $0x5, v4;
	(pc) =	sbr.rel @p2 .LBB2_41-.Ltmp21, $4  }
0xf4: {  	s16 =	sshll.u32 s16, $0x6;
	s15 =	sshll.u32 s15, $0x5;
	s14 =	sadd.s32 s14, s10;
	v4 =	vor.u32 $0x5, v2  }
0xf5: {  	s15 =	sadd.s32 s15, s12;
	s18 =	sadd.s32 $0x10, s14;
	s19 =	sadd.s32 $0x30, s14;
	v3 =	vshll.u32 v8, $0x3;
	vm3 =	vlt.s32 v8, $0x2;
	v2 =	vshll.u32 v7, $0x3  }
0xf6: {  	s16 =	sadd.s32 s16, s10;
	s15 =	sor.u32 $0x280, s15;
	s14 =	sor.u32 $0x280, s18;
	vm2 =	vlt.s32 v7, $0x2;
	v6 =	vor.u32 $0x5, v3;
	v2 =	vor.u32 $0x5, v2  }
0xf7: {  	s9 =	sadd.s32 $0x40, s9;
	s16 =	sor.u32 $0x280, s16;
	v8 =	vor.u32 s17, v1;
	v7 =	vor.u32 s8, v1;
	v3 =	vld [tilespmem:s15+$0x0];
	s15 =	sor.u32 $0x280, s19  }
0xf8: {  	s9 =	smov.u32 s6;
	s8 =	smov.u32 s7;
	s6 =	smov.u32 s4  }
.LBB2_43:
0xf9: {  	v9 =	vld [tilespmem:s16+$0x0]  }
0xfa: {  	v10 =	vld [tilespmem:s15+$0x0]  }
0xfb: {  	v11 =	vld [tilespmem:s14+$0x0];
	_ =	sdelay $0x1  }
0xfc: {  	v12 =	vor.u32 @p0 s9, v1;
	vm5 =	vlt.s32 v3, $0x2;
	v3 =	vshll.u32 v3, $0x3  }
0xfd: {  	s4 =	sadd.s32 @p0 $0xFFFFFFE0, s9;
	v3 =	vor.u32 $0x5, v3;
	vm4 =	vlt.s32 v9, $0x2;
	v9 =	vshll.u32 v9, $0x3  }
0xfe: {  	[tilespmem:v5+s5+$0x0] =	vst.idx.msk @p0 vm0, v8;
	s11 =	sadd.s32 $0xFFFFFFF0, s6;
	s12 =	sadd.s32 $0xFFFFFFE0, s6;
	s9 =	simm.s32 $0x30;
	vm14 =	vlt.s32 v10, $0x2;
	v61 =	vshll.u32 v10, $0x3;
	v5 =	vor.u32 $0x5, v9  }
0xff: {  	[tilespmem:v4+s5+$0x0] =	vst.idx.msk @p0 vm1, v7;
	s7 =	simm.s32 $0x0;
	p1 =	por $0x0, $0x0;
	s15 =	simm.s32 $0x1;
	v4 =	vshll.u32 v11, $0x3;
	vm15 =	vlt.s32 v11, $0x2;
	v62 =	vor.u32 $0x5, v61  }
0x100: {  	s10 =	simm.s32 $0x0;
	s13 =	simm.s32 $0x1;
	[tilespmem:v6+s5+$0x0] =	vst.idx.msk @p0 vm3, v12;
	v6 =	vor.u32 @p0 s4, v1;
	s4 =	simm.s32 $0x1000;
	v4 =	vor.u32 $0x5, v4  }
0x101: {  	s23 =	sand.u32 $0x7, s7;
	s25 =	sand.u32 $0x3, s7;
	[tilespmem:v2+s5+$0x0] =	vst.idx.msk @p0 vm2, v6;
	v2 =	vor.u32 s11, v1;
	p0 =	por $0x1, $0x1  }
.Ltmp22:
0x102: {  	v63 =	vor.u32 s8, v1;
	s13 =	simm.s32 @!p1 $0x0;
	s24 =	sshll.u32 s23, $0x4;
	[tilespmem:v3+s5+$0x0] =	vst.idx.msk vm5, v2;
	(pc) =	sbr.rel @!p0 .LBB2_44-.Ltmp22, $4  }
0x103: {  	s28 =	sshll.u32 s25, $0x5;
	s29 =	sshll.u32 s13, $0x6;
	s26 =	sadd.s32 $0x0, s24;
	v2 =	vor.u32 s6, v1;
	[tilespmem:v5+s5+$0x0] =	vst.idx.msk vm4, v63  }
0x104: {  	s8 =	sadd.s32 $0x20, s28;
	s31 =	sadd.s32 $0x0, s29;
	s30 =	sadd.s32 $0x10, s26;
	v3 =	vor.u32 s12, v1;
	v1 =	vlaneseq.u32;
	[tilespmem:v62+s5+$0x0] =	vst.idx.msk vm14, v2  }
0x105: {  	s8 =	sor.u32 $0x300, s8;
	s17 =	sor.u32 $0x300, s31;
	s6 =	sadd.s32 $0x30, s26;
	[tilespmem:v4+s5+$0x0] =	vst.idx.msk vm15, v3;
	v2 =	vor.u32 $0xC00, v1  }
0x106: {  	s14 =	sor.u32 $0x300, s30;
	s16 =	sor.u32 $0x300, s6;
	s5 =	simm.s32 $0x70;
	v2 =	vor.u32 v2, v0;
	v3 =	vld [tilespmem:s8+$0x0]  }
0x107: {  	v4 =	vld [tilespmem:s17+$0x0]  }
0x108: {  	s6 =	simm.s32 $0x40;
	p2 =	por $0x1, $0x1  }
0x109: {  	v5 =	vld [tilespmem:s16+$0x0];
	s18 =	simm.s32 $0x20;
	s8 =	simm.s32 $0x200;
	s11 =	simm.s32 $0x4  }
0x10a: {  	v7 =	vld [tilespmem:s14+$0x0];
	s12 =	simm.s32 $0x220;
	s13 =	simm.s32 $0x2;
	p0 =	por !p1, !p1  }
0x10b: {  	p1 =	por $0x1, $0x1;
	s29 =	sand.u32 $0x7, s11;
	s30 =	sand.u32 $0x3, s13;
	v6 =	vshll.u32 v3, $0x3;
	vm0 =	vlt.s32 v3, $0x2  }
.Ltmp23:
0x10c: {  	s15 =	simm.s32 @!p0 $0x0;
	s14 =	sshll.u32 s29, $0x4;
	v3 =	vshll.u32 v4, $0x3;
	vm1 =	vlt.s32 v4, $0x2;
	v4 =	vor.u32 $0x6, v6;
	(pc) =	sbr.rel @!p2 .LBB2_46-.Ltmp23, $4  }
0x10d: {  	s16 =	sshll.u32 s30, $0x5;
	s15 =	sshll.u32 s15, $0x6;
	s14 =	sadd.s32 $0x200, s14;
	v6 =	vor.u32 $0x6, v3  }
0x10e: {  	s16 =	sadd.s32 $0x220, s16;
	s15 =	sadd.s32 $0x200, s15;
	s31 =	sadd.s32 $0x10, s14;
	v8 =	vshll.u32 v5, $0x3;
	vm3 =	vlt.s32 v5, $0x2  }
0x10f: {  	s19 =	sadd.s32 $0x30, s14;
	s16 =	sor.u32 $0x300, s16;
	s17 =	sor.u32 $0x300, s15;
	vm2 =	vlt.s32 v7, $0x2;
	v3 =	vshll.u32 v7, $0x3;
	v7 =	vor.u32 $0x6, v8  }
0x110: {  	v9 =	vor.u32 s18, v2;
	s15 =	simm.s32 $0xB0;
	s14 =	sor.u32 $0x300, s31;
	v8 =	vor.u32 s10, v2;
	v5 =	vor.u32 $0x6, v3;
	v3 =	vld [tilespmem:s16+$0x0];
	s16 =	sor.u32 $0x300, s19  }
.LBB2_47:
0x111: {  	v10 =	vld [tilespmem:s17+$0x0];
	[tilespmem:v4+s4+$0x0] =	vst.idx.msk vm0, v9;
	s10 =	smov.u32 s6;
	s6 =	sadd.s32 $0xFFFFFFD0, s15;
	s8 =	sadd.s32 $0x200, s8  }
0x112: {  	v4 =	vor.u32 s9, v2;
	p2 =	slt.u32 s6, $0x1C0;
	v9 =	vld [tilespmem:s16+$0x0];
	[tilespmem:v6+s4+$0x0] =	vst.idx.msk vm1, v8;
	s16 =	sadd.s32 $0xFFFFFFE0, s9;
	s9 =	smov.u32 s5  }
0x113: {  	s11 =	sadd.s32 $0x4, s11;
	s5 =	smov.u32 s15;
	v8 =	vld [tilespmem:s14+$0x0];
	s18 =	sadd.s32 $0xFFFFFFF0, s9;
	v6 =	vor.u32 s16, v2  }
0x114: {  	s12 =	sadd.s32 $0x200, s12;
	p0 =	por !p0, !p0;
	s17 =	simm.s32 $0x1;
	[tilespmem:v7+s4+$0x0] =	vst.idx.msk vm3, v4  }
0x115: {  	s13 =	sadd.s32 $0x2, s13;
	s17 =	simm.s32 @!p0 $0x0;
	s14 =	sand.u32 $0x7, s11;
	v4 =	vshll.u32 v3, $0x3;
	vm0 =	vlt.s32 v3, $0x2;
	[tilespmem:v5+s4+$0x0] =	vst.idx.msk vm2, v6  }
.Ltmp24:
0x116: {  	s16 =	sand.u32 $0x3, s13;
	s14 =	sshll.u32 s14, $0x4;
	v3 =	vshll.u32 v10, $0x3;
	vm1 =	vlt.s32 v10, $0x2;
	v4 =	vor.u32 $0x6, v4;
	(pc) =	sbr.rel @p2 .LBB2_47-.Ltmp24, $4  }
0x117: {  	s17 =	sshll.u32 s17, $0x6;
	s16 =	sshll.u32 s16, $0x5;
	s14 =	sadd.s32 s14, s8;
	v6 =	vor.u32 $0x6, v3  }
0x118: {  	s16 =	sadd.s32 s16, s12;
	s19 =	sadd.s32 $0x10, s14;
	s20 =	sadd.s32 $0x30, s14;
	v7 =	vshll.u32 v9, $0x3;
	vm3 =	vlt.s32 v9, $0x2;
	v3 =	vshll.u32 v8, $0x3  }
0x119: {  	s17 =	sadd.s32 s17, s8;
	s16 =	sor.u32 $0x300, s16;
	s14 =	sor.u32 $0x300, s19;
	vm2 =	vlt.s32 v8, $0x2;
	v7 =	vor.u32 $0x6, v7;
	v5 =	vor.u32 $0x6, v3  }
0x11a: {  	s15 =	sadd.s32 $0x40, s15;
	s17 =	sor.u32 $0x300, s17;
	v9 =	vor.u32 s18, v2;
	v8 =	vor.u32 s10, v2;
	v3 =	vld [tilespmem:s16+$0x0];
	s16 =	sor.u32 $0x300, s20  }
0x11b: {  	s8 =	smov.u32 s9;
	s10 =	smov.u32 s6;
	s9 =	smov.u32 s5  }
.LBB2_49:
0x11c: {  	v10 =	vld [tilespmem:s17+$0x0]  }
0x11d: {  	v11 =	vld [tilespmem:s16+$0x0]  }
0x11e: {  	v12 =	vld [tilespmem:s14+$0x0];
	_ =	sdelay $0x1  }
0x11f: {  	v13 =	vor.u32 @p1 s8, v2;
	vm4 =	vlt.s32 v3, $0x2;
	v3 =	vshll.u32 v3, $0x3  }
0x120: {  	v3 =	vor.u32 $0x6, v3;
	vm5 =	vlt.s32 v10, $0x2;
	v10 =	vshll.u32 v10, $0x3  }
0x121: {  	[tilespmem:v4+s4+$0x0] =	vst.idx.msk @p1 vm0, v9;
	vm0 =	vlt.s32 v11, $0x2;
	v9 =	vshll.u32 v11, $0x3;
	v4 =	vor.u32 $0x6, v10  }
0x122: {  	[tilespmem:v6+s4+$0x0] =	vst.idx.msk @p1 vm1, v8;
	s5 =	sadd.s32 @p1 $0xFFFFFFE0, s8;
	v6 =	vshll.u32 v12, $0x3;
	vm1 =	vlt.s32 v12, $0x2;
	v8 =	vor.u32 $0x6, v9  }
0x123: {  	s6 =	sadd.s32 $0xFFFFFFF0, s9;
	[tilespmem:v7+s4+$0x0] =	vst.idx.msk @p1 vm3, v13;
	v7 =	vor.u32 @p1 s5, v2;
	v6 =	vor.u32 $0x6, v6  }
0x124: {  	[tilespmem:v5+s4+$0x0] =	vst.idx.msk @p1 vm2, v7;
	v5 =	vor.u32 s6, v2  }
0x125: {  	v7 =	vor.u32 s10, v2;
	[tilespmem:v3+s4+$0x0] =	vst.idx.msk vm4, v5  }
0x126: {  	s18 =	sadd.s32 $0xFFFFFFE0, s9;
	s12 =	simm.s32 $0x30;
	v3 =	vor.u32 s9, v2;
	[tilespmem:v4+s4+$0x0] =	vst.idx.msk vm5, v7  }
0x127: {  	s19 =	sor.u32 s12, s7;
	v2 =	vor.u32 s18, v2;
	[tilespmem:v8+s4+$0x0] =	vst.idx.msk vm0, v3  }
0x128: {  	s20 =	simm.s32 $0x10;
	s5 =	sor.u32 $0x380, s19;
	[tilespmem:v6+s4+$0x0] =	vst.idx.msk vm1, v2  }
0x129: {  	s21 =	sor.u32 s20, s7;
	v2 =	vld [tilespmem:s5+$0x0]  }
0x12a: {  	s23 =	sor.u32 s7, s7;
	s10 =	simm.s32 $0x20;
	s6 =	sor.u32 $0x380, s21  }
0x12b: {  	s24 =	sor.u32 $0x380, s23;
	s22 =	sor.u32 s10, s7;
	v3 =	vld [tilespmem:s6+$0x0]  }
0x12c: {  	s5 =	sor.u32 $0x380, s22;
	v5 =	vld [tilespmem:s24+$0x0]  }
0x12d: {  	s8 =	simm.s32 $0x70;
	s11 =	simm.s32 $0x200;
	v4 =	vld [tilespmem:s5+$0x0]  }
0x12e: {  	s13 =	simm.s32 $0x60;
	s25 =	sor.u32 s8, s11;
	v6 =	vshll.u32 v2, $0x3;
	vm3 =	vlt.s32 v2, $0x2  }
0x12f: {  	v1 =	vor.u32 $0xE00, v1;
	s15 =	sor.u32 s13, s11;
	s9 =	simm.s32 $0x50;
	s5 =	simm.s32 $0x40;
	v10 =	vor.u32 $0x7, v6  }
0x130: {  	v0 =	vor.u32 v1, v0;
	s28 =	sor.u32 $0x380, s25;
	s26 =	sor.u32 s9, s11;
	s11 =	sor.u32 s11, s5;
	v2 =	vshll.u32 v3, $0x3  }
0x131: {  	v8 =	vld [tilespmem:s28+$0x0];
	s31 =	sor.u32 $0x380, s11;
	vm1 =	vlt.s32 v3, $0x2;
	v7 =	vshll.u32 v5, $0x3;
	vm0 =	vlt.s32 v5, $0x2  }
0x132: {  	s14 =	simm.s32 $0x90;
	s29 =	sor.u32 $0x380, s26;
	v5 =	vld [tilespmem:s31+$0x0];
	v1 =	vor.u32 $0x7, v2;
	v2 =	vshll.u32 v4, $0x3;
	vm2 =	vlt.s32 v4, $0x2  }
0x133: {  	s16 =	simm.s32 $0xC0;
	s30 =	sor.u32 $0x380, s15;
	s15 =	simm.s32 $0x400;
	v11 =	vor.u32 s12, v0;
	v6 =	vld [tilespmem:s29+$0x0];
	v3 =	vor.u32 $0x7, v2  }
0x134: {  	s12 =	simm.s32 $0xB0;
	v9 =	vor.u32 s20, v0;
	s6 =	simm.s32 $0x80;
	s11 =	simm.s32 $0xA0;
	v4 =	vld [tilespmem:s30+$0x0];
	v2 =	vor.u32 $0x7, v7;
	v7 =	vor.u32 s7, v0;
	[tilespmem:v10+s4+$0x0] =	vst.idx.msk vm3, v11  }
.LBB2_50:
0x135: {  	p0 =	slt.u32 s16, $0x1C0  }
0x136: {  	s7 =	sor.u32 s14, s15;
	s17 =	sor.u32 s12, s15;
	s18 =	smov.u32 s9  }
0x137: {  	v10 =	vshll.u32 v8, $0x3;
	vm3 =	vlt.s32 v8, $0x2;
	[tilespmem:v1+s4+$0x0] =	vst.idx.msk vm1, v9;
	v1 =	vor.u32 s10, v0;
	s9 =	smov.u32 s14;
	s10 =	smov.u32 s13;
	s13 =	sor.u32 s15, s6  }
0x138: {  	s14 =	sor.u32 s11, s15;
	s17 =	sor.u32 $0x380, s17;
	v9 =	vshll.u32 v6, $0x3;
	vm1 =	vlt.s32 v6, $0x2;
	v10 =	vor.u32 $0x7, v10;
	[tilespmem:v3+s4+$0x0] =	vst.idx.msk vm2, v1;
	s19 =	sor.u32 $0x380, s13  }
.Ltmp25:
0x139: {  	s7 =	sor.u32 $0x380, s7;
	s14 =	sor.u32 $0x380, s14;
	v8 =	vld [tilespmem:s17+$0x0];
	v1 =	vor.u32 $0x7, v9;
	v3 =	vshll.u32 v4, $0x3;
	vm2 =	vlt.s32 v4, $0x2;
	[tilespmem:v2+s4+$0x0] =	vst.idx.msk vm0, v7;
	(pc) =	sbr.rel @p0 .LBB2_50-.Ltmp25, $4  }
0x13a: {  	s13 =	smov.u32 s11;
	v6 =	vld [tilespmem:s7+$0x0];
	v2 =	vshll.u32 v5, $0x3;
	vm0 =	vlt.s32 v5, $0x2;
	v3 =	vor.u32 $0x7, v3;
	s7 =	smov.u32 s5;
	s5 =	smov.u32 s6  }
0x13b: {  	s6 =	smov.u32 s16;
	v4 =	vld [tilespmem:s14+$0x0];
	v2 =	vor.u32 $0x7, v2  }
0x13c: {  	v11 =	vor.u32 s8, v0;
	s8 =	smov.u32 s12;
	s11 =	sadd.s32 $0x20, s16;
	s14 =	sadd.s32 $0x10, s16;
	v5 =	vld [tilespmem:s19+$0x0]  }
0x13d: {  	s15 =	sadd.s32 $0x200, s15;
	v9 =	vor.u32 s18, v0;
	s12 =	sadd.s32 $0x30, s6;
	s16 =	sadd.s32 $0x40, s16;
	v7 =	vor.u32 s7, v0;
	[tilespmem:v10+s4+$0x0] =	vst.idx.msk vm3, v11  }
0x13e: {  	s7 =	sor.u32 s12, s15  }
0x13f: {  	s16 =	sor.u32 s14, s15;
	s7 =	sor.u32 $0x380, s7  }
0x140: {  	v10 =	vshll.u32 v8, $0x3;
	vm3 =	vlt.s32 v8, $0x2;
	v41 =	vor.u32 s10, v0;
	s31 =	sor.u32 s11, s15;
	s16 =	sor.u32 $0x380, s16;
	v11 =	vld [tilespmem:s7+$0x0]  }
0x141: {  	s15 =	sor.u32 s15, s6;
	v48 =	vor.u32 s8, v0;
	v49 =	vor.u32 s9, v0;
	v51 =	vor.u32 s13, v0;
	s10 =	sor.u32 $0x380, s31;
	v43 =	vld [tilespmem:s16+$0x0]  }
0x142: {  	v12 =	vshll.u32 v6, $0x3;
	vm4 =	vlt.s32 v6, $0x2;
	v42 =	vor.u32 $0x7, v10;
	s7 =	sor.u32 $0x380, s15;
	v44 =	vld [tilespmem:s10+$0x0]  }
0x143: {  	v12 =	vor.u32 $0x7, v12;
	v13 =	vshll.u32 v4, $0x3;
	vm5 =	vlt.s32 v4, $0x2;
	v46 =	vld [tilespmem:s7+$0x0]  }
0x144: {  	[tilespmem:v1+s4+$0x0] =	vst.idx.msk vm1, v9;
	v14 =	vshll.u32 v5, $0x3;
	vm6 =	vlt.s32 v5, $0x2;
	v45 =	vor.u32 $0x7, v13  }
0x145: {  	[tilespmem:v2+s4+$0x0] =	vst.idx.msk vm0, v7;
	v47 =	vor.u32 $0x7, v14;
	v50 =	vshll.u32 v11, $0x3;
	vm11 =	vlt.s32 v11, $0x2  }
0x146: {  	[tilespmem:v3+s4+$0x0] =	vst.idx.msk vm2, v41;
	vm12 =	vlt.s32 v43, $0x2;
	v52 =	vshll.u32 v43, $0x3;
	v3 =	vor.u32 $0x7, v50  }
0x147: {  	[tilespmem:v42+s4+$0x0] =	vst.idx.msk vm3, v48;
	v53 =	vshll.u32 v44, $0x3;
	vm13 =	vlt.s32 v44, $0x2;
	v2 =	vor.u32 $0x7, v52  }
0x148: {  	[tilespmem:v12+s4+$0x0] =	vst.idx.msk vm4, v49;
	v54 =	vshll.u32 v46, $0x3;
	vm14 =	vlt.s32 v46, $0x2;
	v6 =	vor.u32 $0x7, v53  }
0x149: {  	v55 =	vor.u32 s5, v0;
	[tilespmem:v45+s4+$0x0] =	vst.idx.msk vm5, v51;
	v4 =	vor.u32 $0x7, v54  }
0x14a: {  	v56 =	vor.u32 s12, v0;
	[tilespmem:v47+s4+$0x0] =	vst.idx.msk vm6, v55  }
0x14b: {  	v57 =	vor.u32 s14, v0;
	[tilespmem:v3+s4+$0x0] =	vst.idx.msk vm11, v56  }
0x14c: {  	v58 =	vor.u32 s11, v0;
	[tilespmem:v2+s4+$0x0] =	vst.idx.msk vm12, v57  }
0x14d: {  	v59 =	vor.u32 s6, v0;
	[tilespmem:v6+s4+$0x0] =	vst.idx.msk vm13, v58  }
0x14e: {  	[tilespmem:v4+s4+$0x0] =	vst.idx.msk vm14, v59  }
0x14f: {  	v0 =	vld [tilespmem:$0x1000];
	_ =	sdelay $0x4  }
0x150: {  	v60 =	vshll.u32 v0, $0x3  }
0x151: {  	v61 =	vlaneseq.u32;
	v0 =	vand.u32 $0x7, v0;
	v1 =	vand.u32 $0xFFFFFFC0, v60  }
0x152: {  	v62 =	vand.u32 $0x7, v61;
	v63 =	vshrl.u32 v61, $0x3;
	v0 =	vor.u32 v0, v1  }
0x153: {  	v3 =	vmul.u32 $0x8, v63;
	v1 =	vperm.xlane v0, v62;
	_ =	sdelay $0x1  }
0x154: {  	v1 =	vadd.s32 v3, v1;
	_ =	sdelay $0x3  }
0x155: {  	vm15 =	vmmov $0xffff;
	s17 =	simm.s32 $0x1080;
	s16 =	simm.s32 $0x0  }
0x156: {  	v2 =	vor.u32 $0x8, v61;
	[tilespmem:s17], [sflag:$0x1] =	stream.indirect_vreg.gather [hbm4b:s3+s16], $0x80, v1, vm15, $0xb8;
	[tilespmem:$0x5080] =	vst v63  }
0x157: {  	s18 =	sadd.s32 $0x100, s3;
	s19 =	simm.s32 $0x1880;
	v0 =	vperm.xlane v0, v2  }
0x158: {  	[tilespmem:s19], [sflag:$0x1] =	stream.indirect_vreg.gather [hbm4b:s18+s16], $0x80, v1, vm15, $0xb8;
	[tilespmem:$0x5080] =	vst v63  }
0x159: {  	s20 =	sadd.s32 $0x200, s3;
	s21 =	simm.s32 $0x2080;
	v0 =	vadd.s32 v3, v0  }
0x15a: {  	[tilespmem:s21], [sflag:$0x1] =	stream.indirect_vreg.gather [hbm4b:s20+s16], $0x80, v1, vm15, $0xb8;
	[tilespmem:$0x5080] =	vst v63  }
0x15b: {  	s22 =	sadd.s32 $0x300, s3;
	s23 =	simm.s32 $0x2880  }
0x15c: {  	[tilespmem:s23], [sflag:$0x1] =	stream.indirect_vreg.gather [hbm4b:s22+s16], $0x80, v1, vm15, $0xb8;
	[tilespmem:$0x5080] =	vst v63  }
0x15d: {  	s24 =	simm.s32 $0x3080  }
0x15e: {  	[tilespmem:s24], [sflag:$0x1] =	stream.indirect_vreg.gather [hbm4b:s3+s16], $0x80, v0, vm15, $0xb8;
	[tilespmem:$0x5080] =	vst v63  }
0x15f: {  	s25 =	simm.s32 $0x3880  }
0x160: {  	[tilespmem:s25], [sflag:$0x1] =	stream.indirect_vreg.gather [hbm4b:s18+s16], $0x80, v0, vm15, $0xb8;
	[tilespmem:$0x5080] =	vst v63  }
0x161: {  	s26 =	simm.s32 $0x4080  }
0x162: {  	[tilespmem:s26], [sflag:$0x1] =	stream.indirect_vreg.gather [hbm4b:s20+s16], $0x80, v0, vm15, $0xb8;
	[tilespmem:$0x5080] =	vst v63  }
0x163: {  	s28 =	simm.s32 $0x4880;
	s29 =	simm.s32 $0x1  }
0x164: {  	[tilespmem:s28], [sflag:$0x1] =	stream.indirect_vreg.gather [hbm4b:s22+s16], $0x80, v0, vm15, $0xb8;
	[tilespmem:$0x5080] =	vst v63  }
0x165: {  	_ =	swait.ge [sflag:s29], $0x4000  }
0x166: {  	s30 =	sshll.u32 s1, $0xB;
	[sflag:s29] =	ssyncset.done $0x0  }
0x167: {  	s2 =	sadd.s32 s2, s30;
	s31 =	simm.s32 $0x2;
	[sflag:s29] =	ssyncadd.s32 $0xFFFFC000  }
0x168: {  	[hbm4b:s2+s16] =	stream.linear.scatter [tilespmem:s17], [sflag:$0x2], $0x2000, $0x38;
	[tilespmem:$0x5080] =	vst v63  }
0x169: {  	_ =	swait.ge [sflag:s31], $0x2000  }
0x16a: {  	[sflag:s31] =	ssyncset.done $0x0  }
0x16b: {  	s2 =	sadd.s32 $0x400, s2;
	[sflag:s31] =	ssyncadd.s32 $0xFFFFE000  }
0x16c: {  	[hbm4b:s2+s16] =	stream.linear.scatter [tilespmem:s24], [sflag:$0x2], $0x2000, $0x38;
	[tilespmem:$0x5080] =	vst v63  }
0x16d: {  	_ =	swait.ge [sflag:s31], $0x2000  }
0x16e: {  	[sflag:s31] =	ssyncset.done $0x0  }
0x16f: {  	[sflag:s31] =	ssyncadd.s32 $0xFFFFE000  }
0x170: {  	_ =	sfence.sel $0x180000  }
0x171: {  	[bflag:$0x0] =	sbarrier.arrive $0xFFFF  }
0x172: {  	p0 =	sne.s32 s1, $0x0;
	_ =	strace $0x90000047  }
0x173: {  	s0 =	sadd.s32 @!p0 $0x100000, s0;
	[bflag:$0x2] =	sbarrier.arrive $0xFFFF  }
0x174: {  	[sflag:s0] =	ssyncadd.tile.s32 @!p0 $0x1;
	_ =	shalt  }
.LBB2_1:
.Ltmp26:
0x175: {  	_ = 	snop;
	(pc) =	sbr.rel .LBB2_8-.Ltmp26, $3  }
0x176: {  	_ =	sdelay $0x1  }
0x177: {  	s12 =	simm.s32 $0x30  }
0x178: {  	s19 =	smov.u32 s5;
	s13 =	simm.s32 $0x0;
	p3 =	por $0x0, $0x0;
	v10 =	vmov v7;
	v11 =	vmov v5  }
.LBB2_9:
.Ltmp27:
0x179: {  	(pc) =	sbr.rel .LBB2_16-.Ltmp27, $2  }
0x17a: {  	_ =	sdelay $0x2  }
0x17b: {  	s9 =	simm.s32 $0x30;
	p1 =	por $0x0, $0x0  }
.LBB2_17:
.Ltmp28:
0x17c: {  	(pc) =	sbr.rel .LBB2_24-.Ltmp28, $3  }
0x17d: {  	_ =	sdelay $0x1  }
0x17e: {  	s12 =	simm.s32 $0x30  }
0x17f: {  	s17 =	smov.u32 s5;
	s13 =	simm.s32 $0x0;
	p3 =	por $0x0, $0x0;
	v13 =	vmov v5  }
.LBB2_25:
.Ltmp29:
0x180: {  	(pc) =	sbr.rel .LBB2_32-.Ltmp29, $2  }
0x181: {  	_ =	sdelay $0x2  }
0x182: {  	s10 =	simm.s32 $0x30;
	p1 =	por $0x0, $0x0  }
.LBB2_33:
.Ltmp30:
0x183: {  	(pc) =	sbr.rel .LBB2_37-.Ltmp30, $2  }
0x184: {  	_ =	sdelay $0x2  }
0x185: {  	s13 =	simm.s32 $0x0;
	s18 =	simm.s32 $0x30;
	p3 =	por $0x0, $0x0  }
.LBB2_38:
.Ltmp31:
0x186: {  	(pc) =	sbr.rel .LBB2_43-.Ltmp31, $2  }
0x187: {  	_ =	sdelay $0x2  }
0x188: {  	_ = 	snop  }
.LBB2_44:
.Ltmp32:
0x189: {  	(pc) =	sbr.rel .LBB2_49-.Ltmp32, $2  }
0x18a: {  	_ =	sdelay $0x2  }
0x18b: {  	_ = 	snop  }
.LBB2_3:
.Ltmp33:
0x18c: {  	(pc) =	sbr.rel .LBB2_8-.Ltmp33, $3  }
0x18d: {  	_ =	sdelay $0x1  }
0x18e: {  	s12 =	simm.s32 $0x70  }
0x18f: {  	s21 =	simm.s32 $0x0;
	s17 =	simm.s32 $0x30;
	p3 =	por $0x0, $0x0  }
.LBB2_11:
.Ltmp34:
0x190: {  	(pc) =	sbr.rel .LBB2_16-.Ltmp34, $3  }
0x191: {  	_ =	sdelay $0x1  }
0x192: {  	s9 =	simm.s32 $0x70  }
0x193: {  	s12 =	simm.s32 $0x0;
	s5 =	smov.u32 s14;
	s6 =	simm.s32 $0x40;
	v4 =	vmov v9  }
.LBB2_19:
.Ltmp35:
0x194: {  	(pc) =	sbr.rel .LBB2_24-.Ltmp35, $3  }
0x195: {  	_ =	sdelay $0x1  }
0x196: {  	s12 =	simm.s32 $0x70  }
0x197: {  	s20 =	simm.s32 $0x0;
	s19 =	simm.s32 $0x30;
	p3 =	por $0x0, $0x0  }
.LBB2_27:
.Ltmp36:
0x198: {  	(pc) =	sbr.rel .LBB2_32-.Ltmp36, $3  }
0x199: {  	_ =	sdelay $0x1  }
0x19a: {  	s10 =	simm.s32 $0x70  }
0x19b: {  	s11 =	simm.s32 $0x0;
	s5 =	smov.u32 s14;
	s7 =	simm.s32 $0x40;
	v4 =	vmov v9  }
.LBB2_35:
.Ltmp37:
0x19c: {  	(pc) =	sbr.rel .LBB2_37-.Ltmp37, $2  }
0x19d: {  	_ =	sdelay $0x2  }
0x19e: {  	s19 =	simm.s32 $0x30;
	s18 =	simm.s32 $0x70  }
.LBB2_40:
.Ltmp38:
0x19f: {  	(pc) =	sbr.rel .LBB2_43-.Ltmp38, $2  }
0x1a0: {  	_ =	sdelay $0x2  }
0x1a1: {  	s8 =	simm.s32 $0x40;
	s9 =	simm.s32 $0x30;
	s6 =	simm.s32 $0x70  }
.LBB2_46:
.Ltmp39:
0x1a2: {  	(pc) =	sbr.rel .LBB2_49-.Ltmp39, $2  }
0x1a3: {  	_ =	sdelay $0x2  }
0x1a4: {  	s10 =	simm.s32 $0x40;
	s8 =	simm.s32 $0x30;
	s9 =	simm.s32 $0x70  }
.LBB2_5:
.Ltmp40:
0x1a5: {  	(pc) =	sbr.rel .LBB2_8-.Ltmp40, $3  }
0x1a6: {  	_ =	sdelay $0x1  }
0x1a7: {  	s20 =	simm.s32 $0x20;
	s21 =	simm.s32 $0x40;
	s17 =	simm.s32 $0x70  }
0x1a8: {  	v15 =	vmovc v3;
	v3 =	vmov v13;
	s19 =	smov.u32 s18;
	s13 =	simm.s32 $0x80;
	s14 =	simm.s32 $0x60;
	v11 =	vmov v14;
	v10 =	vmov v12  }
.LBB2_13:
.Ltmp41:
0x1a9: {  	(pc) =	sbr.rel .LBB2_16-.Ltmp41, $3  }
0x1aa: {  	_ =	sdelay $0x1  }
0x1ab: {  	s7 =	simm.s32 $0x70  }
0x1ac: {  	v13 =	vmov v3;
	v3 =	vmov v10;
	s15 =	simm.s32 $0x20;
	s6 =	simm.s32 $0x80;
	s10 =	simm.s32 $0x60;
	v11 =	vmov v12  }
.LBB2_21:
.Ltmp42:
0x1ad: {  	(pc) =	sbr.rel .LBB2_24-.Ltmp42, $3  }
0x1ae: {  	_ =	sdelay $0x1  }
0x1af: {  	s20 =	simm.s32 $0x40;
	s19 =	simm.s32 $0x70;
	s21 =	simm.s32 $0x20  }
0x1b0: {  	v15 =	vmovc v4;
	v4 =	vmov v10;
	s17 =	smov.u32 s18;
	s13 =	simm.s32 $0x80;
	s14 =	simm.s32 $0x60;
	v13 =	vmov v11;
	v12 =	vmov v14  }
.LBB2_29:
.Ltmp43:
0x1b1: {  	(pc) =	sbr.rel .LBB2_32-.Ltmp43, $3  }
0x1b2: {  	_ =	sdelay $0x1  }
0x1b3: {  	s6 =	simm.s32 $0x70  }
0x1b4: {  	v13 =	vmov v3;
	v3 =	vmov v10;
	s15 =	simm.s32 $0x20;
	s7 =	simm.s32 $0x80;
	s9 =	simm.s32 $0x60;
	v11 =	vmov v12  }
.Lfunc_end2:
_tile_overlayer_lowered:
.L_overlay_start_2:
0x1b5: {  	(tag) =	ssettag $0x2  }
0x1b6: {  	s0 =	rddreg [dreg:$0x0];
	s2 =	stileid.u32  }
0x1b7: {  	s1 =	rddreg [dreg:$0x1];
	p0 =	sne.s32 s2, $0x0  }
0x1b8: {  	s3 =	rddreg [dreg:$0x2];
	[bflag:$0x3] =	sbarrier.arrive $0xFFFF;
	s2 =	simm.s32 @!p0 $0x1C02  }
0x1b9: {  	[timem:s3], [sflag:s2] =	dma.local @!p0 [hbm:s0], s1  }
0x1ba: {  	s0 =	simm.s32 @!p0 $0x2  }
0x1bb: {  	_ =	swait.ge @!p0 [sflag:s0], s1  }
0x1bc: {  	s1 =	ssub.s32 @!p0 $0x0, s1;
	[sflag:s0] =	ssyncset.done @!p0 $0x0  }
0x1bd: {  	[sflag:s0] =	ssyncadd.s32 @!p0 s1  }
0x1be: {  	[bflag:$0x3] =	sbarrier.arrive $0xFFFF  }
0x1bf: {  	_ =	shalt  }

</sc_bundles>
